<compile_context>
chip_gen: v7x
topology: tpu7x:2x2x1
jax: 0.10.2.dev20260603
libtpu: 0.0.44.dev20260713+nightly
codegen_flags: <defaults>
</compile_context>

<pallas_src>
import jax
import jax.numpy as jnp
from jax import lax
from jax.experimental import pallas as pl
from jax.experimental.pallas import tpu as pltpu
from jax.experimental.pallas import tpu_sc as plsc

BATCH = 16384
SEQ = 50
N = BATCH * SEQ
HID = 64
MRK = 16
VOC = 1000

NC = 2
NS = 16
NW = NC * NS
NCH = 4
NT = N // NCH
BCH = BATCH // NCH
TPW = NT // NW
TB = 128
NBLK = TPW // TB
GRP = 16
OBW = HID + 1
GW = 128


def _sc_gather_sum(rp_hbm, ct_hbm, pt_hbm, ctab_hbm, out_hbm,
                   pt_v, ctab_v, rp_v, ctv_v, ob0, ob1, sem0, sem1):
    wid = lax.axis_index("s") * NC + lax.axis_index("c")
    tok_base = wid * TPW

    pltpu.sync_copy(pt_hbm, pt_v)
    pltpu.sync_copy(ctab_hbm, ctab_v)

    iota = lax.iota(jnp.int32, GRP)
    vmax = jnp.full((GRP,), VOC - 1, jnp.int32)
    zero = jnp.zeros((GRP,), jnp.int32)
    m31 = jnp.full((GRP,), 31, jnp.int32)

    def fill_group(rx, ry, rc, ob):
        rxs, rys, rcs = rx & m31, ry & m31, rc & m31
        @plsc.parallel_loop(0, HID, unroll=8)
        def _(c):
            cc = jnp.full((GRP,), 0, jnp.int32) + c
            gx = plsc.load_gather(pt_v, [rx, cc ^ rxs])
            gy = plsc.load_gather(pt_v, [ry, cc ^ rys])
            gz = plsc.load_gather(ctab_v, [rc, cc ^ rcs])
            plsc.store_scatter(ob, [iota, cc], gx + gy + gz)

    def group_indices(t_loc):
        ridx = iota * 2 + (2 * t_loc)
        rx = plsc.load_gather(rp_v, [ridx])
        ry = plsc.load_gather(rp_v, [ridx + 1])
        rc = ctv_v[pl.ds(t_loc, GRP)]
        clip = lambda v: jnp.minimum(jnp.maximum(v, zero), vmax)
        return clip(rx), clip(ry), clip(rc)

    NPAIR = TB // (2 * GRP)

    def block_body(blk, carry):
        tok0 = tok_base + blk * TB
        pltpu.sync_copy(rp_hbm.at[pl.ds(tok0 * 2, TB * 2)], rp_v)
        pltpu.sync_copy(ct_hbm.at[pl.ds(tok0, TB)], ctv_v)

        def pair_body(pair, carry2):
            for half, (ob, sem) in enumerate(((ob0, sem0), (ob1, sem1))):
                t_loc = pair * 2 * GRP + half * GRP
                src = ob.at[:, pl.ds(0, HID)]
                dst = out_hbm.at[pl.ds(tok0 + t_loc, GRP), pl.ds(0, HID)]

                @pl.when((blk > 0) | (pair > 0))
                def _():
                    pltpu.make_async_copy(src, dst, sem).wait()

                rx, ry, rc = group_indices(t_loc)
                fill_group(rx, ry, rc, ob)
                pltpu.async_copy(src, dst, sem)
            return carry2

        return lax.fori_loop(0, NPAIR, pair_body, carry)

    lax.fori_loop(0, NBLK, block_body, 0)
    tail = out_hbm.at[pl.ds(0, GRP), pl.ds(0, HID)]
    pltpu.make_async_copy(ob0.at[:, pl.ds(0, HID)], tail, sem0).wait()
    pltpu.make_async_copy(ob1.at[:, pl.ds(0, HID)], tail, sem1).wait()


@jax.jit
def _gather_sum(rel_flat, ct_flat, pos_table_sw, cell_table_sw):
    mesh = plsc.VectorSubcoreMesh(
        core_axis_name="c", subcore_axis_name="s",
        num_cores=NC, num_subcores=NS)
    return pl.kernel(
        _sc_gather_sum,
        out_type=jax.ShapeDtypeStruct((NT, GW), jnp.float32),
        mesh=mesh,
        compiler_params=pltpu.CompilerParams(
            needs_layout_passes=False, use_tc_tiling_on_sc=False),
        scratch_types=[
            pltpu.VMEM((VOC, HID), jnp.float32),
            pltpu.VMEM((VOC, HID), jnp.float32),
            pltpu.VMEM((TB * 2,), jnp.int32),
            pltpu.VMEM((TB,), jnp.int32),
            pltpu.VMEM((GRP, OBW), jnp.float32),
            pltpu.VMEM((GRP, OBW), jnp.float32),
            pltpu.SemaphoreType.DMA,
            pltpu.SemaphoreType.DMA,
        ],
    )(rel_flat, ct_flat, pos_table_sw, cell_table_sw)


def _tc_body(g_ref, m_ref, w_ref, b_ref, o_ref):
    proj = lax.dot_general(m_ref[...], w_ref[...], (((0,), (0,)), ((), ())),
                           preferred_element_type=jnp.float32)
    res = g_ref[:, :HID] + proj + b_ref[...]
    o_ref[...] = res.reshape(BB, SEQ, HID)


BB = 128
BN = BB * SEQ


def _tc_body0(g_ref, m_ref, w_ref, b_ref, o_ref):
    _tc_body(g_ref, m_ref, w_ref, b_ref, o_ref)


def _tc_body1(o_in_ref, g_ref, m_ref, w_ref, b_ref, o_ref):
    _tc_body(g_ref, m_ref, w_ref, b_ref, o_ref)


def _project_add(chunk, out_prev, g, markers, W, b2):
    base = chunk * (BCH // BB)
    out_sds = jax.ShapeDtypeStruct((BATCH, SEQ, HID), jnp.float32)
    o_spec = pl.BlockSpec((BB, SEQ, HID), lambda i: (i + base, 0, 0))
    specs = [
        pl.BlockSpec((BN, GW), lambda i: (i, 0)),
        pl.BlockSpec((MRK, BN), lambda i: (0, i)),
        pl.BlockSpec((MRK, HID), lambda i: (0, 0)),
        pl.BlockSpec((1, HID), lambda i: (0, 0)),
    ]
    if chunk == 0:
        return pl.pallas_call(
            _tc_body0, grid=(BCH // BB,), in_specs=specs,
            out_specs=o_spec, out_shape=out_sds,
        )(g, markers, W, b2)
    return pl.pallas_call(
        _tc_body1, grid=(BCH // BB,),
        in_specs=[pl.BlockSpec((8, SEQ, HID), lambda i: (0, 0, 0))] + specs,
        out_specs=o_spec, out_shape=out_sds,
        input_output_aliases={0: 0},
    )(out_prev, g, markers, W, b2)


def _swizzle(table):
    r = jnp.arange(VOC, dtype=jnp.int32)[:, None]
    c = jnp.arange(HID, dtype=jnp.int32)[None, :]
    return jnp.take_along_axis(table, c ^ (r & 31), axis=1)


def kernel(marker_values, rel_positions, cell_types, W, b, cell_type_table, position_table):
    rel_flat = rel_positions.reshape(N * 2)
    ct_flat = cell_types.reshape(N)
    mt = marker_values.reshape(N, MRK).T
    pt_sw, ct_sw = _swizzle(position_table), _swizzle(cell_type_table)
    b2 = b.reshape(1, HID)
    gs = [_gather_sum(lax.slice(rel_flat, (c * NT * 2,), ((c + 1) * NT * 2,)),
                      lax.slice(ct_flat, (c * NT,), ((c + 1) * NT,)),
                      pt_sw, ct_sw)
          for c in range(NCH)]
    out = None
    for c in range(NCH):
        mt_c = lax.slice(mt, (0, c * NT), (MRK, (c + 1) * NT))
        out = _project_add(c, out, gs[c], mt_c, W, b2)
    return out

# --- scband reference (transcript-rebuilt; emitter-appended) ---
"""Pipeline reference for scband-cell-embedding-12163347383248 (READ-ONLY COPY).

The authoritative reference and input builder live on the scoring server;
editing this copy changes nothing except your own understanding.
"""

import jax, jax.numpy as jnp
import numpy as np

MAX_POSITION = 1000
HIDDEN_DIM = 64
MARKER_DIM = 16
NUM_CELL_TYPES = 1000
BATCH = 16384
SEQ = 50


def _sinusoidal_table(max_position, hidden_dim):
    position = np.arange(max_position, dtype=np.float64)[:, None]
    div_term = np.exp(np.arange(0, hidden_dim, 2, dtype=np.float64) * (-np.log(10000.0) / hidden_dim))
    pt = np.zeros((max_position, hidden_dim), dtype=np.float32)
    pt[:, 0::2] = np.sin(position * div_term).astype(np.float32)
    pt[:, 1::2] = np.cos(position * div_term).astype(np.float32)
    return jnp.asarray(pt)


def setup_inputs(seed: int = 0) -> dict:
    key = jax.random.key(seed)
    k1, k2, k3, k4, k5, k6 = jax.random.split(key, 6)
    marker_values = jax.random.normal(k1, (BATCH, SEQ, MARKER_DIM), dtype=jnp.float32)
    rel_positions = jax.random.randint(k2, (BATCH, SEQ, 2), 0, MAX_POSITION, dtype=jnp.int64 if jax.config.jax_enable_x64 else jnp.int32).astype(jnp.int32)
    cell_types = jax.random.randint(k3, (BATCH, SEQ), 0, NUM_CELL_TYPES).astype(jnp.int32)
    # parameters
    W = jax.random.normal(k4, (MARKER_DIM, HIDDEN_DIM), dtype=jnp.float32) * (1.0 / np.sqrt(MARKER_DIM))
    b = jax.random.normal(k5, (HIDDEN_DIM,), dtype=jnp.float32) * 0.01
    cell_type_table = jax.random.normal(k6, (NUM_CELL_TYPES, HIDDEN_DIM), dtype=jnp.float32)
    position_table = _sinusoidal_table(MAX_POSITION, HIDDEN_DIM)
    return {
        "marker_values": marker_values,
        "rel_positions": rel_positions,
        "cell_types": cell_types,
        "W": W,
        "b": b,
        "cell_type_table": cell_type_table,
        "position_table": position_table,
    }


def reference(marker_values, rel_positions, cell_types, W, b, cell_type_table, position_table):
    # marker embedding (Linear)
    marker_embed = jnp.einsum('bsm,mh->bsh', marker_values, W) + b
    # positional embedding lookups (gathers)
    max_pos = position_table.shape[0]
    rel_pos_x = jnp.clip(rel_positions[:, :, 0], 0, max_pos - 1)
    rel_pos_y = jnp.clip(rel_positions[:, :, 1], 0, max_pos - 1)
    pos_embed_x = jnp.take(position_table, rel_pos_x, axis=0)
    pos_embed_y = jnp.take(position_table, rel_pos_y, axis=0)
    pos_embed = pos_embed_x + pos_embed_y
    combined = marker_embed + pos_embed
    # cell type embedding lookup
    cell_type_embed = jnp.take(cell_type_table, cell_types, axis=0)
    combined = combined + cell_type_embed
    return combined

if __name__ == "__main__":
    import jax
    _d = setup_inputs()
    print(jax.jit(kernel)(*tuple(_d.values())))

</pallas_src>

<mosaic_0001>
#map = affine_map<(d0, d1) -> (0)>
#map1 = affine_map<(d0, d1) -> (0, 0)>
module attributes {stable_mosaic.version = 14 : i64} {
  func.func @_sc_gather_sum(%arg0: i32, %arg1: i32, %arg2: memref<409600xi32, #tpu.memory_space<hbm>>, %arg3: memref<204800xi32, #tpu.memory_space<hbm>>, %arg4: memref<1000x64xf32, #tpu.memory_space<hbm>>, %arg5: memref<1000x64xf32, #tpu.memory_space<hbm>>, %arg6: memref<204800x128xf32, #tpu.memory_space<hbm>>, %arg7: memref<1000x64xf32, #tpu.memory_space<vmem>>, %arg8: memref<1000x64xf32, #tpu.memory_space<vmem>>, %arg9: memref<256xi32, #tpu.memory_space<vmem>>, %arg10: memref<128xi32, #tpu.memory_space<vmem>>, %arg11: memref<16x65xf32, #tpu.memory_space<vmem>>, %arg12: memref<16x65xf32, #tpu.memory_space<vmem>>, %arg13: memref<!tpu.dma_semaphore, #tpu.memory_space<semaphore_mem>>, %arg14: memref<!tpu.dma_semaphore, #tpu.memory_space<semaphore_mem>>) attributes {dimension_semantics = [#tpu.dimension_semantics<core_parallel>, #tpu.dimension_semantics<subcore_parallel>], iteration_bounds = array<i64: 2, 16>, scalar_prefetch = 0 : i64, scratch_operands = 8 : i64, tpu.core_type = #tpu.core_type<sc_vector_subcore>, window_params = [{transform_indices = #map}, {transform_indices = #map}, {transform_indices = #map1}, {transform_indices = #map1}, {transform_indices = #map1}]} {
    %mul3A = arith.constant 2 : i32
    %mul3A_0 = arith.muli %arg1, %mul3A : i32
    %add3A = arith.addi %mul3A_0, %arg0 : i32
    %mul3A_1 = arith.constant 6400 : i32
    %mul3A_2 = arith.muli %add3A, %mul3A_1 : i32
    "tpu.region"() ({
      %run_scoped3A = tpu.sem_alloc : memref<!tpu.dma_semaphore, #tpu.memory_space<semaphore_mem>>
      tpu.enqueue_dma source(%arg4 : memref<1000x64xf32, #tpu.memory_space<hbm>>) target(%arg7 : memref<1000x64xf32, #tpu.memory_space<vmem>>) target_semaphore(%run_scoped3A : memref<!tpu.dma_semaphore, #tpu.memory_space<semaphore_mem>>)
      tpu.wait_dma2 semaphore(%run_scoped3A : memref<!tpu.dma_semaphore, #tpu.memory_space<semaphore_mem>>) src(%arg4 : memref<1000x64xf32, #tpu.memory_space<hbm>>) dst(%arg7 : memref<1000x64xf32, #tpu.memory_space<vmem>>)
      tpu.yield
    }) : () -> ()
    "tpu.region"() ({
      %run_scoped3A = tpu.sem_alloc : memref<!tpu.dma_semaphore, #tpu.memory_space<semaphore_mem>>
      tpu.enqueue_dma source(%arg5 : memref<1000x64xf32, #tpu.memory_space<hbm>>) target(%arg8 : memref<1000x64xf32, #tpu.memory_space<vmem>>) target_semaphore(%run_scoped3A : memref<!tpu.dma_semaphore, #tpu.memory_space<semaphore_mem>>)
      tpu.wait_dma2 semaphore(%run_scoped3A : memref<!tpu.dma_semaphore, #tpu.memory_space<semaphore_mem>>) src(%arg5 : memref<1000x64xf32, #tpu.memory_space<hbm>>) dst(%arg8 : memref<1000x64xf32, #tpu.memory_space<vmem>>)
      tpu.yield
    }) : () -> ()
    %iota3A = tpu.iota {dimensions = array<i32: 0>} : vector<16xi32>
    %broadcast_in_dim3A = arith.constant 999 : i32
    %broadcast_in_dim3A_3 = vector.broadcast %broadcast_in_dim3A : i32 to vector<16xi32>
    %broadcast_in_dim3A_4 = arith.constant 0 : i32
    %broadcast_in_dim3A_5 = vector.broadcast %broadcast_in_dim3A_4 : i32 to vector<16xi32>
    %broadcast_in_dim3A_6 = arith.constant 31 : i32
    %broadcast_in_dim3A_7 = vector.broadcast %broadcast_in_dim3A_6 : i32 to vector<16xi32>
    %scan3A = arith.constant 0 : i32
    %scan3A_8 = arith.constant 0 : i32
    %scan3A_9 = arith.constant 50 : i32
    %scan3A_10 = arith.addi %scan3A_8, %scan3A_9 : i32
    %scan3A_11 = arith.constant 1 : i32
    scf.for %scan3A_36 = %scan3A_8 to %scan3A_10 step %scan3A_11  : i32 {
      %mul3A_37 = arith.constant 128 : i32
      %mul3A_38 = arith.muli %scan3A_36, %mul3A_37 : i32
      %add3A_39 = arith.addi %mul3A_2, %mul3A_38 : i32
      %mul3A_40 = arith.constant 2 : i32
      %mul3A_41 = arith.muli %add3A_39, %mul3A_40 : i32
      "tpu.region"() ({
        %run_scoped3A = tpu.sem_alloc : memref<!tpu.dma_semaphore, #tpu.memory_space<semaphore_mem>>
        %dma_start3A = tpu.memref_slice %arg2[%mul3A_41] : memref<409600xi32, #tpu.memory_space<hbm>> -> memref<256xi32, #tpu.memory_space<hbm>>
        %dma_start3A_47 = tpu.memref_slice %arg2[%mul3A_41] : memref<409600xi32, #tpu.memory_space<hbm>> -> memref<256xi32, #tpu.memory_space<hbm>>
        tpu.enqueue_dma source(%dma_start3A_47 : memref<256xi32, #tpu.memory_space<hbm>>) target(%arg9 : memref<256xi32, #tpu.memory_space<vmem>>) target_semaphore(%run_scoped3A : memref<!tpu.dma_semaphore, #tpu.memory_space<semaphore_mem>>)
        %dma_wait3A_48 = tpu.memref_slice %arg2[%mul3A_41] : memref<409600xi32, #tpu.memory_space<hbm>> -> memref<256xi32, #tpu.memory_space<hbm>>
        %dma_wait3A_49 = tpu.memref_slice %arg2[%mul3A_41] : memref<409600xi32, #tpu.memory_space<hbm>> -> memref<256xi32, #tpu.memory_space<hbm>>
        tpu.wait_dma2 semaphore(%run_scoped3A : memref<!tpu.dma_semaphore, #tpu.memory_space<semaphore_mem>>) src(%dma_wait3A_49 : memref<256xi32, #tpu.memory_space<hbm>>) dst(%arg9 : memref<256xi32, #tpu.memory_space<vmem>>)
        tpu.yield
      }) : () -> ()
      "tpu.region"() ({
        %run_scoped3A = tpu.sem_alloc : memref<!tpu.dma_semaphore, #tpu.memory_space<semaphore_mem>>
        %dma_start3A = tpu.memref_slice %arg3[%add3A_39] : memref<204800xi32, #tpu.memory_space<hbm>> -> memref<128xi32, #tpu.memory_space<hbm>>
        %dma_start3A_47 = tpu.memref_slice %arg3[%add3A_39] : memref<204800xi32, #tpu.memory_space<hbm>> -> memref<128xi32, #tpu.memory_space<hbm>>
        tpu.enqueue_dma source(%dma_start3A_47 : memref<128xi32, #tpu.memory_space<hbm>>) target(%arg10 : memref<128xi32, #tpu.memory_space<vmem>>) target_semaphore(%run_scoped3A : memref<!tpu.dma_semaphore, #tpu.memory_space<semaphore_mem>>)
        %dma_wait3A_48 = tpu.memref_slice %arg3[%add3A_39] : memref<204800xi32, #tpu.memory_space<hbm>> -> memref<128xi32, #tpu.memory_space<hbm>>
        %dma_wait3A_49 = tpu.memref_slice %arg3[%add3A_39] : memref<204800xi32, #tpu.memory_space<hbm>> -> memref<128xi32, #tpu.memory_space<hbm>>
        tpu.wait_dma2 semaphore(%run_scoped3A : memref<!tpu.dma_semaphore, #tpu.memory_space<semaphore_mem>>) src(%dma_wait3A_49 : memref<128xi32, #tpu.memory_space<hbm>>) dst(%arg10 : memref<128xi32, #tpu.memory_space<vmem>>)
        tpu.yield
      }) : () -> ()
      %scan3A_42 = arith.constant 0 : i32
      %scan3A_43 = arith.constant 4 : i32
      %scan3A_44 = arith.addi %scan3A_42, %scan3A_43 : i32
      %scan3A_45 = arith.constant 1 : i32
      scf.for %scan3A_47 = %scan3A_42 to %scan3A_44 step %scan3A_45  : i32 {
        %mul3A_48 = arith.constant 2 : i32
        %mul3A_49 = arith.muli %scan3A_47, %mul3A_48 : i32
        %mul3A_50 = arith.constant 16 : i32
        %mul3A_51 = arith.muli %mul3A_49, %mul3A_50 : i32
        %add3A_52 = arith.constant 0 : i32
        %add3A_53 = arith.addi %mul3A_51, %add3A_52 : i32
        %add3A_54 = arith.addi %add3A_39, %add3A_53 : i32
        %gt3A = arith.constant 0 : i32
        %gt3A_55 = arith.cmpi sgt, %scan3A_36, %gt3A : i32
        %gt3A_56 = arith.constant 0 : i32
        %gt3A_57 = arith.cmpi sgt, %scan3A_47, %gt3A_56 : i32
        %or3A = arith.ori %gt3A_55, %gt3A_57 : i1
        %convert_element_type3A = arith.extui %or3A : i1 to i32
        %cond3A = arith.constant 0 : i32
        %cond3A_58 = arith.cmpi ne, %convert_element_type3A, %cond3A : i32
        scf.if %cond3A_58 {
          %dma_wait3A_139 = arith.constant 0 : i32
          %dma_wait3A_140 = arith.constant 0 : i32
          %dma_wait3A_141 = tpu.memref_slice %arg11[%dma_wait3A_139, %dma_wait3A_140] : memref<16x65xf32, #tpu.memory_space<vmem>> -> memref<16x64xf32, #tpu.memory_space<vmem>>
          %dma_wait3A_142 = arith.constant 0 : i32
          %dma_wait3A_143 = tpu.memref_slice %arg6[%add3A_54, %dma_wait3A_142] : memref<204800x128xf32, #tpu.memory_space<hbm>> -> memref<16x64xf32, #tpu.memory_space<hbm>>
          %dma_wait3A_144 = arith.constant 0 : i32
          %dma_wait3A_145 = tpu.memref_slice %arg6[%add3A_54, %dma_wait3A_144] : memref<204800x128xf32, #tpu.memory_space<hbm>> -> memref<16x64xf32, #tpu.memory_space<hbm>>
          %dma_wait3A_146 = arith.constant 0 : i32
          %dma_wait3A_147 = arith.constant 0 : i32
          %dma_wait3A_148 = tpu.memref_slice %arg11[%dma_wait3A_146, %dma_wait3A_147] : memref<16x65xf32, #tpu.memory_space<vmem>> -> memref<16x64xf32, #tpu.memory_space<vmem>>
          tpu.wait_dma2 semaphore(%arg13 : memref<!tpu.dma_semaphore, #tpu.memory_space<semaphore_mem>>) src(%dma_wait3A_148 : memref<16x64xf32, #tpu.memory_space<vmem>>) dst(%dma_wait3A_145 : memref<16x64xf32, #tpu.memory_space<hbm>>)
        } else {
        }
        %mul3A_59 = arith.constant 2 : i32
        %mul3A_60 = vector.broadcast %mul3A_59 : i32 to vector<16xi32>
        %mul3A_61 = arith.muli %iota3A, %mul3A_60 : vector<16xi32>
        %mul3A_62 = arith.constant 2 : i32
        %mul3A_63 = arith.muli %mul3A_62, %add3A_53 : i32
        %add3A_64 = vector.broadcast %mul3A_63 : i32 to vector<16xi32>
        %add3A_65 = arith.addi %mul3A_61, %add3A_64 : vector<16xi32>
        %gather3A = tpu.vector_load_idx %arg9[%add3A_65] : memref<256xi32, #tpu.memory_space<vmem>>[vector<16xi32>], vector<16xi32>,
        %add3A_66 = arith.constant 1 : i32
        %add3A_67 = vector.broadcast %add3A_66 : i32 to vector<16xi32>
        %add3A_68 = arith.addi %add3A_65, %add3A_67 : vector<16xi32>
        %gather3A_69 = tpu.vector_load_idx %arg9[%add3A_68] : memref<256xi32, #tpu.memory_space<vmem>>[vector<16xi32>], vector<16xi32>,
        %get3A = arith.index_cast %add3A_53 : i32 to index
        %get3A_70 = tpu.vector_load %arg10[%get3A] {strides = array<i32>} : memref<128xi32, #tpu.memory_space<vmem>>, vector<16xi32>,
        %max3A = arith.maxsi %gather3A, %broadcast_in_dim3A_5 : vector<16xi32>
        %min3A = arith.minsi %max3A, %broadcast_in_dim3A_3 : vector<16xi32>
        %max3A_71 = arith.maxsi %gather3A_69, %broadcast_in_dim3A_5 : vector<16xi32>
        %min3A_72 = arith.minsi %max3A_71, %broadcast_in_dim3A_3 : vector<16xi32>
        %max3A_73 = arith.maxsi %get3A_70, %broadcast_in_dim3A_5 : vector<16xi32>
        %min3A_74 = arith.minsi %max3A_73, %broadcast_in_dim3A_3 : vector<16xi32>
        %and3A = arith.andi %min3A, %broadcast_in_dim3A_7 : vector<16xi32>
        %and3A_75 = arith.andi %min3A_72, %broadcast_in_dim3A_7 : vector<16xi32>
        %and3A_76 = arith.andi %min3A_74, %broadcast_in_dim3A_7 : vector<16xi32>
        %parallel_loop3A = arith.constant 0 : i32
        %parallel_loop3A_77 = arith.constant 64 : i32
        %parallel_loop3A_78 = arith.constant 1 : i32
        scf.for %parallel_loop3A_139 = %parallel_loop3A to %parallel_loop3A_77 step %parallel_loop3A_78  : i32 {
          %parallel_loop3A_140 = arith.constant 0 : i32
          %parallel_loop3A_141 = vector.broadcast %parallel_loop3A_140 : i32 to vector<16xi32>
          %parallel_loop3A_142 = vector.broadcast %parallel_loop3A_139 : i32 to vector<16xi32>
          %parallel_loop3A_143 = arith.addi %parallel_loop3A_141, %parallel_loop3A_142 : vector<16xi32>
          %parallel_loop3A_144 = arith.xori %parallel_loop3A_143, %and3A : vector<16xi32>
          %parallel_loop3A_145 = tpu.vector_load_idx %arg7[%min3A, %parallel_loop3A_144] : memref<1000x64xf32, #tpu.memory_space<vmem>>[vector<16xi32>, vector<16xi32>], vector<16xf32>,
          %parallel_loop3A_146 = arith.xori %parallel_loop3A_143, %and3A_75 : vector<16xi32>
          %parallel_loop3A_147 = tpu.vector_load_idx %arg7[%min3A_72, %parallel_loop3A_146] : memref<1000x64xf32, #tpu.memory_space<vmem>>[vector<16xi32>, vector<16xi32>], vector<16xf32>,
          %parallel_loop3A_148 = arith.xori %parallel_loop3A_143, %and3A_76 : vector<16xi32>
          %parallel_loop3A_149 = tpu.vector_load_idx %arg8[%min3A_74, %parallel_loop3A_148] : memref<1000x64xf32, #tpu.memory_space<vmem>>[vector<16xi32>, vector<16xi32>], vector<16xf32>,
          %parallel_loop3A_150 = arith.addf %parallel_loop3A_145, %parallel_loop3A_147 : vector<16xf32>
          %parallel_loop3A_151 = arith.addf %parallel_loop3A_150, %parallel_loop3A_149 : vector<16xf32>
          tpu.vector_store_idx %arg11[%iota3A, %parallel_loop3A_143], %parallel_loop3A_151 : memref<16x65xf32, #tpu.memory_space<vmem>>[vector<16xi32>, vector<16xi32>], vector<16xf32>,
        } {sc.loop_unroll_factor = 8 : i64, sc.parallel_access}
        %dma_start3A = arith.constant 0 : i32
        %dma_start3A_79 = arith.constant 0 : i32
        %dma_start3A_80 = tpu.memref_slice %arg11[%dma_start3A, %dma_start3A_79] : memref<16x65xf32, #tpu.memory_space<vmem>> -> memref<16x64xf32, #tpu.memory_space<vmem>>
        %dma_start3A_81 = arith.constant 0 : i32
        %dma_start3A_82 = tpu.memref_slice %arg6[%add3A_54, %dma_start3A_81] : memref<204800x128xf32, #tpu.memory_space<hbm>> -> memref<16x64xf32, #tpu.memory_space<hbm>>
        %dma_start3A_83 = arith.constant 0 : i32
        %dma_start3A_84 = tpu.memref_slice %arg6[%add3A_54, %dma_start3A_83] : memref<204800x128xf32, #tpu.memory_space<hbm>> -> memref<16x64xf32, #tpu.memory_space<hbm>>
        %dma_start3A_85 = arith.constant 0 : i32
        %dma_start3A_86 = arith.constant 0 : i32
        %dma_start3A_87 = tpu.memref_slice %arg11[%dma_start3A_85, %dma_start3A_86] : memref<16x65xf32, #tpu.memory_space<vmem>> -> memref<16x64xf32, #tpu.memory_space<vmem>>
        tpu.enqueue_dma source(%dma_start3A_87 : memref<16x64xf32, #tpu.memory_space<vmem>>) target(%dma_start3A_84 : memref<16x64xf32, #tpu.memory_space<hbm>>) target_semaphore(%arg13 : memref<!tpu.dma_semaphore, #tpu.memory_space<semaphore_mem>>)
        %mul3A_88 = arith.constant 2 : i32
        %mul3A_89 = arith.muli %scan3A_47, %mul3A_88 : i32
        %mul3A_90 = arith.constant 16 : i32
        %mul3A_91 = arith.muli %mul3A_89, %mul3A_90 : i32
        %add3A_92 = arith.constant 16 : i32
        %add3A_93 = arith.addi %mul3A_91, %add3A_92 : i32
        %add3A_94 = arith.addi %add3A_39, %add3A_93 : i32
        %gt3A_95 = arith.constant 0 : i32
        %gt3A_96 = arith.cmpi sgt, %scan3A_36, %gt3A_95 : i32
        %gt3A_97 = arith.constant 0 : i32
        %gt3A_98 = arith.cmpi sgt, %scan3A_47, %gt3A_97 : i32
        %or3A_99 = arith.ori %gt3A_96, %gt3A_98 : i1
        %convert_element_type3A_100 = arith.extui %or3A_99 : i1 to i32
        %cond3A_101 = arith.constant 0 : i32
        %cond3A_102 = arith.cmpi ne, %convert_element_type3A_100, %cond3A_101 : i32
        scf.if %cond3A_102 {
          %dma_wait3A_139 = arith.constant 0 : i32
          %dma_wait3A_140 = arith.constant 0 : i32
          %dma_wait3A_141 = tpu.memref_slice %arg12[%dma_wait3A_139, %dma_wait3A_140] : memref<16x65xf32, #tpu.memory_space<vmem>> -> memref<16x64xf32, #tpu.memory_space<vmem>>
          %dma_wait3A_142 = arith.constant 0 : i32
          %dma_wait3A_143 = tpu.memref_slice %arg6[%add3A_94, %dma_wait3A_142] : memref<204800x128xf32, #tpu.memory_space<hbm>> -> memref<16x64xf32, #tpu.memory_space<hbm>>
          %dma_wait3A_144 = arith.constant 0 : i32
          %dma_wait3A_145 = tpu.memref_slice %arg6[%add3A_94, %dma_wait3A_144] : memref<204800x128xf32, #tpu.memory_space<hbm>> -> memref<16x64xf32, #tpu.memory_space<hbm>>
          %dma_wait3A_146 = arith.constant 0 : i32
          %dma_wait3A_147 = arith.constant 0 : i32
          %dma_wait3A_148 = tpu.memref_slice %arg12[%dma_wait3A_146, %dma_wait3A_147] : memref<16x65xf32, #tpu.memory_space<vmem>> -> memref<16x64xf32, #tpu.memory_space<vmem>>
          tpu.wait_dma2 semaphore(%arg14 : memref<!tpu.dma_semaphore, #tpu.memory_space<semaphore_mem>>) src(%dma_wait3A_148 : memref<16x64xf32, #tpu.memory_space<vmem>>) dst(%dma_wait3A_145 : memref<16x64xf32, #tpu.memory_space<hbm>>)
        } else {
        }
        %mul3A_103 = arith.constant 2 : i32
        %mul3A_104 = vector.broadcast %mul3A_103 : i32 to vector<16xi32>
        %mul3A_105 = arith.muli %iota3A, %mul3A_104 : vector<16xi32>
        %mul3A_106 = arith.constant 2 : i32
        %mul3A_107 = arith.muli %mul3A_106, %add3A_93 : i32
        %add3A_108 = vector.broadcast %mul3A_107 : i32 to vector<16xi32>
        %add3A_109 = arith.addi %mul3A_105, %add3A_108 : vector<16xi32>
        %gather3A_110 = tpu.vector_load_idx %arg9[%add3A_109] : memref<256xi32, #tpu.memory_space<vmem>>[vector<16xi32>], vector<16xi32>,
        %add3A_111 = arith.constant 1 : i32
        %add3A_112 = vector.broadcast %add3A_111 : i32 to vector<16xi32>
        %add3A_113 = arith.addi %add3A_109, %add3A_112 : vector<16xi32>
        %gather3A_114 = tpu.vector_load_idx %arg9[%add3A_113] : memref<256xi32, #tpu.memory_space<vmem>>[vector<16xi32>], vector<16xi32>,
        %get3A_115 = arith.index_cast %add3A_93 : i32 to index
        %get3A_116 = tpu.vector_load %arg10[%get3A_115] {strides = array<i32>} : memref<128xi32, #tpu.memory_space<vmem>>, vector<16xi32>,
        %max3A_117 = arith.maxsi %gather3A_110, %broadcast_in_dim3A_5 : vector<16xi32>
        %min3A_118 = arith.minsi %max3A_117, %broadcast_in_dim3A_3 : vector<16xi32>
        %max3A_119 = arith.maxsi %gather3A_114, %broadcast_in_dim3A_5 : vector<16xi32>
        %min3A_120 = arith.minsi %max3A_119, %broadcast_in_dim3A_3 : vector<16xi32>
        %max3A_121 = arith.maxsi %get3A_116, %broadcast_in_dim3A_5 : vector<16xi32>
        %min3A_122 = arith.minsi %max3A_121, %broadcast_in_dim3A_3 : vector<16xi32>
        %and3A_123 = arith.andi %min3A_118, %broadcast_in_dim3A_7 : vector<16xi32>
        %and3A_124 = arith.andi %min3A_120, %broadcast_in_dim3A_7 : vector<16xi32>
        %and3A_125 = arith.andi %min3A_122, %broadcast_in_dim3A_7 : vector<16xi32>
        %parallel_loop3A_126 = arith.constant 0 : i32
        %parallel_loop3A_127 = arith.constant 64 : i32
        %parallel_loop3A_128 = arith.constant 1 : i32
        scf.for %parallel_loop3A_139 = %parallel_loop3A_126 to %parallel_loop3A_127 step %parallel_loop3A_128  : i32 {
          %parallel_loop3A_140 = arith.constant 0 : i32
          %parallel_loop3A_141 = vector.broadcast %parallel_loop3A_140 : i32 to vector<16xi32>
          %parallel_loop3A_142 = vector.broadcast %parallel_loop3A_139 : i32 to vector<16xi32>
          %parallel_loop3A_143 = arith.addi %parallel_loop3A_141, %parallel_loop3A_142 : vector<16xi32>
          %parallel_loop3A_144 = arith.xori %parallel_loop3A_143, %and3A_123 : vector<16xi32>
          %parallel_loop3A_145 = tpu.vector_load_idx %arg7[%min3A_118, %parallel_loop3A_144] : memref<1000x64xf32, #tpu.memory_space<vmem>>[vector<16xi32>, vector<16xi32>], vector<16xf32>,
          %parallel_loop3A_146 = arith.xori %parallel_loop3A_143, %and3A_124 : vector<16xi32>
          %parallel_loop3A_147 = tpu.vector_load_idx %arg7[%min3A_120, %parallel_loop3A_146] : memref<1000x64xf32, #tpu.memory_space<vmem>>[vector<16xi32>, vector<16xi32>], vector<16xf32>,
          %parallel_loop3A_148 = arith.xori %parallel_loop3A_143, %and3A_125 : vector<16xi32>
          %parallel_loop3A_149 = tpu.vector_load_idx %arg8[%min3A_122, %parallel_loop3A_148] : memref<1000x64xf32, #tpu.memory_space<vmem>>[vector<16xi32>, vector<16xi32>], vector<16xf32>,
          %parallel_loop3A_150 = arith.addf %parallel_loop3A_145, %parallel_loop3A_147 : vector<16xf32>
          %parallel_loop3A_151 = arith.addf %parallel_loop3A_150, %parallel_loop3A_149 : vector<16xf32>
          tpu.vector_store_idx %arg12[%iota3A, %parallel_loop3A_143], %parallel_loop3A_151 : memref<16x65xf32, #tpu.memory_space<vmem>>[vector<16xi32>, vector<16xi32>], vector<16xf32>,
        } {sc.loop_unroll_factor = 8 : i64, sc.parallel_access}
        %dma_start3A_129 = arith.constant 0 : i32
        %dma_start3A_130 = arith.constant 0 : i32
        %dma_start3A_131 = tpu.memref_slice %arg12[%dma_start3A_129, %dma_start3A_130] : memref<16x65xf32, #tpu.memory_space<vmem>> -> memref<16x64xf32, #tpu.memory_space<vmem>>
        %dma_start3A_132 = arith.constant 0 : i32
        %dma_start3A_133 = tpu.memref_slice %arg6[%add3A_94, %dma_start3A_132] : memref<204800x128xf32, #tpu.memory_space<hbm>> -> memref<16x64xf32, #tpu.memory_space<hbm>>
        %dma_start3A_134 = arith.constant 0 : i32
        %dma_start3A_135 = tpu.memref_slice %arg6[%add3A_94, %dma_start3A_134] : memref<204800x128xf32, #tpu.memory_space<hbm>> -> memref<16x64xf32, #tpu.memory_space<hbm>>
        %dma_start3A_136 = arith.constant 0 : i32
        %dma_start3A_137 = arith.constant 0 : i32
        %dma_start3A_138 = tpu.memref_slice %arg12[%dma_start3A_136, %dma_start3A_137] : memref<16x65xf32, #tpu.memory_space<vmem>> -> memref<16x64xf32, #tpu.memory_space<vmem>>
        tpu.enqueue_dma source(%dma_start3A_138 : memref<16x64xf32, #tpu.memory_space<vmem>>) target(%dma_start3A_135 : memref<16x64xf32, #tpu.memory_space<hbm>>) target_semaphore(%arg14 : memref<!tpu.dma_semaphore, #tpu.memory_space<semaphore_mem>>)
      }
      %scan3A_46 = arith.constant 4 : i32
    }
    %scan3A_12 = arith.constant 50 : i32
    %dma_wait3A = arith.constant 0 : i32
    %dma_wait3A_13 = arith.constant 0 : i32
    %dma_wait3A_14 = tpu.memref_slice %arg11[%dma_wait3A, %dma_wait3A_13] : memref<16x65xf32, #tpu.memory_space<vmem>> -> memref<16x64xf32, #tpu.memory_space<vmem>>
    %dma_wait3A_15 = arith.constant 0 : i32
    %dma_wait3A_16 = arith.constant 0 : i32
    %dma_wait3A_17 = tpu.memref_slice %arg6[%dma_wait3A_15, %dma_wait3A_16] : memref<204800x128xf32, #tpu.memory_space<hbm>> -> memref<16x64xf32, #tpu.memory_space<hbm>>
    %dma_wait3A_18 = arith.constant 0 : i32
    %dma_wait3A_19 = arith.constant 0 : i32
    %dma_wait3A_20 = tpu.memref_slice %arg6[%dma_wait3A_18, %dma_wait3A_19] : memref<204800x128xf32, #tpu.memory_space<hbm>> -> memref<16x64xf32, #tpu.memory_space<hbm>>
    %dma_wait3A_21 = arith.constant 0 : i32
    %dma_wait3A_22 = arith.constant 0 : i32
    %dma_wait3A_23 = tpu.memref_slice %arg11[%dma_wait3A_21, %dma_wait3A_22] : memref<16x65xf32, #tpu.memory_space<vmem>> -> memref<16x64xf32, #tpu.memory_space<vmem>>
    tpu.wait_dma2 semaphore(%arg13 : memref<!tpu.dma_semaphore, #tpu.memory_space<semaphore_mem>>) src(%dma_wait3A_23 : memref<16x64xf32, #tpu.memory_space<vmem>>) dst(%dma_wait3A_20 : memref<16x64xf32, #tpu.memory_space<hbm>>)
    %dma_wait3A_24 = arith.constant 0 : i32
    %dma_wait3A_25 = arith.constant 0 : i32
    %dma_wait3A_26 = tpu.memref_slice %arg12[%dma_wait3A_24, %dma_wait3A_25] : memref<16x65xf32, #tpu.memory_space<vmem>> -> memref<16x64xf32, #tpu.memory_space<vmem>>
    %dma_wait3A_27 = arith.constant 0 : i32
    %dma_wait3A_28 = arith.constant 0 : i32
    %dma_wait3A_29 = tpu.memref_slice %arg6[%dma_wait3A_27, %dma_wait3A_28] : memref<204800x128xf32, #tpu.memory_space<hbm>> -> memref<16x64xf32, #tpu.memory_space<hbm>>
    %dma_wait3A_30 = arith.constant 0 : i32
    %dma_wait3A_31 = arith.constant 0 : i32
    %dma_wait3A_32 = tpu.memref_slice %arg6[%dma_wait3A_30, %dma_wait3A_31] : memref<204800x128xf32, #tpu.memory_space<hbm>> -> memref<16x64xf32, #tpu.memory_space<hbm>>
    %dma_wait3A_33 = arith.constant 0 : i32
    %dma_wait3A_34 = arith.constant 0 : i32
    %dma_wait3A_35 = tpu.memref_slice %arg12[%dma_wait3A_33, %dma_wait3A_34] : memref<16x65xf32, #tpu.memory_space<vmem>> -> memref<16x64xf32, #tpu.memory_space<vmem>>
    tpu.wait_dma2 semaphore(%arg14 : memref<!tpu.dma_semaphore, #tpu.memory_space<semaphore_mem>>) src(%dma_wait3A_35 : memref<16x64xf32, #tpu.memory_space<vmem>>) dst(%dma_wait3A_32 : memref<16x64xf32, #tpu.memory_space<hbm>>)
    return
  }
}

</mosaic_0001>

<sc_bundles>
// kernel: _gather_sum.3.cloned.1.call-start
scs
__scs_entry_jumppad:
0x0: {  	(pc) =	sbr.rel $0x88, $3  }
0x1: {  	(tag) =	ssettag $0x0;
	lr =	simm.s32 $0x1  }
0x2: {  	[smem:$0x3F9D] =	sst lr;
	_ =	strace $0xD0000000  }
0x3: {  	_ = 	snop  }
0x4: {  	_ = 	snop  }
0x5: {  	_ = 	snop  }
0x6: {  	_ = 	snop  }
0x7: {  	_ = 	snop  }
__scs_overlays_trampoline_lowered:
0x8: {  	[smem:$0x3FAC] =	sst s0  }
0x9: {  	[smem:$0x3FAD] =	sst s1  }
0xa: {  	[smem:$0x3FAE] =	sst s2  }
0xb: {  	[smem:$0x3FAF] =	sst s3  }
0xc: {  	[smem:$0x3FB0] =	sst s4  }
0xd: {  	[smem:$0x3FB1] =	sst s5  }
0xe: {  	[smem:$0x3FB2] =	sst s6  }
0xf: {  	[smem:$0x3FB3] =	sst s7  }
0x10: {  	[smem:$0x3FB4] =	sst s8  }
0x11: {  	[smem:$0x3FB5] =	sst s9;
	s0 =	simm.s32 @!p0 $0x0  }
0x12: {  	s1 =	sld [smem:$0x3F9B];
	s0 =	simm.s32 @p0 $0x1  }
0x13: {  	[smem:$0x3FB6] =	sst s0;
	s0 =	simm.s32 @!p1 $0x0  }
0x14: {  	s2 =	sld [smem:$0x3F9A];
	s0 =	simm.s32 @p1 $0x1  }
0x15: {  	[smem:$0x3FB7] =	sst s0;
	s0 =	simm.s32 @!p2 $0x0  }
0x16: {  	s3 =	sld [smem:$0x3FDB];
	s0 =	simm.s32 @p2 $0x1  }
0x17: {  	s4 =	simm.s32 $0x1BF5;
	[smem:$0x3FB9] =	sst s0  }
0x18: {  	s0 =	sld [smem:$0x3F9C];
	_ =	swait.ge [sflag:s4], $0x0  }
0x19: {  	s7 =	sld [smem:$0x3F9D]  }
0x1a: {  	s8 =	sadd.s32 $0xFFFFE003, lr  }
0x1b: {  	s9 =	sadd.s32 $0xFFFFFEF7, lr;
	s5 =	simm.s32 $0xFFFFFFFF;
	p2 =	slt.u32 s8, $0xFFFFF086  }
0x1c: {  	p1 =	slt.u32 s9, $0xF7A;
	s5 =	simm.s32 @!p2 $0x0  }
0x1d: {  	s5 =	simm.s32 @p1 $0x1;
	p0 =	seq.s32 s7, s2  }
0x1e: {  	s7 =	smul.u32 @!p0 $0xF7A, s2;
	p2 =	seq.s32 @!p0 s5, $0x0  }
0x1f: {  	s9 =	smul.u32 $0xF7A, s1;
	s8 =	simm.s32 @!p0 $0x1BF5;
	p2 =	por !p2, p0  }
0x20: {  	[sflag:s8] =	ssyncset.s32 @!p0 $0xFFFFF086;
	s6 =	sadd.s32 @!p0 s3, s7;
	s7 =	simm.s32 @!p0 $0x108  }
0x21: {  	s3 =	sadd.s32 s3, s9;
	s6 =	sadd.s32 @!p0 $0x88, s6;
	s7 =	simm.s32 @p2 $0x1082  }
0x22: {  	[simem:s7], [sflag:s8] =	dma.local @!p0 [hbm:s6], $0xF7A  }
0x23: {  	s9 =	sor.u32 $0xD0000000, s2;
	s6 =	simm.s32 $0x108;
	_ =	swait.ge @!p0 [sflag:s8], $0x0  }
0x24: {  	s3 =	sadd.s32 $0x88, s3;
	s6 =	simm.s32 @!p1 $0x1082;
	[sflag:s4] =	ssyncset.s32 $0xFFFFF086  }
0x25: {  	[simem:s6], [sflag:s4] =	dma.local [hbm:s3], $0xF7A  }
0x26: {  	[smem:$0x3F9D] =	sst s1;
	(tag) =	ssettag s2;
	_ =	strace s9  }
0x27: {  	s1 =	sld [smem:$0x3FAD]  }
0x28: {  	s2 =	sld [smem:$0x3FAE]  }
0x29: {  	s4 =	sld [smem:$0x3FB0]  }
0x2a: {  	p0 =	seq.s32 s5, $0x0;
	s5 =	sld [smem:$0x3FB1]  }
0x2b: {  	s6 =	sld [smem:$0x3FB2]  }
0x2c: {  	s7 =	sld [smem:$0x3FB3]  }
0x2d: {  	s3 =	simm.s32 $0x108;
	s8 =	sld [smem:$0x3FB4]  }
0x2e: {  	s3 =	simm.s32 @!p0 $0x1082;
	s9 =	sld [smem:$0x3FB5]  }
0x2f: {  	lr =	sadd.s32 s0, s3;
	s0 =	sld [smem:$0x3FAC]  }
0x30: {  	s3 =	sld [smem:$0x3FAF]  }
0x31: {  	[smem:$0x3FB8] =	sst s10  }
0x32: {  	s10 =	sld [smem:$0x3FB6];
	_ =	sdelay $0x3  }
0x33: {  	p0 =	seq.s32 s10, $0x1;
	s10 =	sld [smem:$0x3FB8];
	_ =	sdelay $0x3  }
0x34: {  	[smem:$0x3FB8] =	sst s10  }
0x35: {  	s10 =	sld [smem:$0x3FB7];
	_ =	sdelay $0x3  }
0x36: {  	p1 =	seq.s32 s10, $0x1;
	s10 =	sld [smem:$0x3FB8];
	_ =	sdelay $0x3  }
0x37: {  	[smem:$0x3FB8] =	sst s10  }
0x38: {  	s10 =	sld [smem:$0x3FB9]  }
0x39: {  	_ = 	snop;
	(pc) =	sbr.ind lr, $3  }
0x3a: {  	_ = 	snop  }
0x3b: {  	_ = 	snop  }
0x3c: {  	p2 =	seq.s32 s10, $0x1;
	s10 =	sld [smem:$0x3FB8]  }
0x3d: {  	_ =	shalt  }
0x3e: {  	_ =	shalt  }
0x3f: {  	_ =	shalt  }
0x40: {  	_ =	shalt  }
0x41: {  	_ =	shalt  }
0x42: {  	_ =	shalt  }
0x43: {  	_ =	shalt  }
0x44: {  	_ =	shalt  }
0x45: {  	_ =	shalt  }
0x46: {  	_ =	shalt  }
0x47: {  	_ =	shalt  }
0x48: {  	_ =	shalt  }
0x49: {  	_ =	shalt  }
0x4a: {  	_ =	shalt  }
0x4b: {  	_ =	shalt  }
0x4c: {  	_ =	shalt  }
0x4d: {  	_ =	shalt  }
0x4e: {  	_ =	shalt  }
0x4f: {  	_ =	shalt  }
0x50: {  	_ =	shalt  }
0x51: {  	_ =	shalt  }
0x52: {  	_ =	shalt  }
0x53: {  	_ =	shalt  }
0x54: {  	_ =	shalt  }
0x55: {  	_ =	shalt  }
0x56: {  	_ =	shalt  }
0x57: {  	_ =	shalt  }
0x58: {  	_ =	shalt  }
0x59: {  	_ =	shalt  }
0x5a: {  	_ =	shalt  }
0x5b: {  	_ =	shalt  }
0x5c: {  	_ =	shalt  }
0x5d: {  	_ =	shalt  }
0x5e: {  	_ =	shalt  }
0x5f: {  	_ =	shalt  }
0x60: {  	_ =	shalt  }
0x61: {  	_ =	shalt  }
0x62: {  	_ =	shalt  }
0x63: {  	_ =	shalt  }
0x64: {  	_ =	shalt  }
0x65: {  	_ =	shalt  }
0x66: {  	_ =	shalt  }
0x67: {  	_ =	shalt  }
0x68: {  	_ =	shalt  }
0x69: {  	_ =	shalt  }
0x6a: {  	_ =	shalt  }
0x6b: {  	_ =	shalt  }
0x6c: {  	_ =	shalt  }
0x6d: {  	_ =	shalt  }
0x6e: {  	_ =	shalt  }
0x6f: {  	_ =	shalt  }
0x70: {  	_ =	shalt  }
0x71: {  	_ =	shalt  }
0x72: {  	_ =	shalt  }
0x73: {  	_ =	shalt  }
0x74: {  	_ =	shalt  }
0x75: {  	_ =	shalt  }
0x76: {  	_ =	shalt  }
0x77: {  	_ =	shalt  }
0x78: {  	_ =	shalt  }
0x79: {  	_ =	shalt  }
0x7a: {  	_ =	shalt  }
0x7b: {  	_ =	shalt  }
0x7c: {  	_ =	shalt  }
0x7d: {  	_ =	shalt  }
0x7e: {  	_ =	shalt  }
0x7f: {  	_ =	shalt  }
0x80: {  	_ =	shalt  }
0x81: {  	_ =	shalt  }
0x82: {  	_ =	shalt  }
0x83: {  	_ =	shalt  }
0x84: {  	_ =	shalt  }
0x85: {  	_ =	shalt  }
0x86: {  	_ =	shalt  }
0x87: {  	_ =	shalt  }
.Lfunc_end0:
.L_simem_size_0:
called_computation_lowered:
.L_overlay_start_0:
0x88: {  	s2 =	sld [smem:$0x3FD9]  }
0x89: {  	s3 =	sld [smem:$0x3FFE];
	_ =	sdelay $0x1  }
0x8a: {  	s1 =	srdreg.scid  }
0x8b: {  	s0 =	sand.u32 $0x1, s1  }
0x8c: {  	s17 =	sshll.u32 s0, $0xA;
	s2 =	sadd.s32 s3, s2  }
0x8d: {  	s2 =	sadd.s32 s2, s17  }
0x8e: {  	[smem:$0x3FC4] =	sst s2  }
0x8f: {  	_ = 	snop  }
0x90: {  	s2 =	sld [smem:$0x3FC9]  }
0x91: {  	s18 =	sld [smem:$0x3FC8]  }
0x92: {  	s4 =	sld [smem:$0x3FD0];
	(tm) =	ssettm $0x1  }
0x93: {  	s5 =	sld [smem:$0x3FFB];
	_ =	sdelay $0x3  }
0x94: {  	_ =	strace s5  }
0x95: {  	s5 =	sld [smem:$0x3FFC];
	_ =	sdelay $0x3  }
0x96: {  	_ =	strace s5  }
0x97: {  	s5 =	sld [smem:$0x3FFD];
	_ =	sdelay $0x3  }
0x98: {  	_ =	strace s5  }
0x99: {  	_ =	strace $0x8FFFFFFF  }
0x9a: {  	s19 =	sld [smem:$0x3FDB];
	_ =	sdelay $0x1  }
0x9b: {  	s6 =	simm.s32 $_scs_section_size  }
0x9c: {  	s7 =	simm.s32 $_size__tile_overlayer_lowered;
	s8 =	simm.s32 $_tile_overlayer_lowered  }
0x9d: {  	s22 =	simm.s32 $0x1BFF;
	s21 =	sshll.u32 s8, $0x1;
	s5 =	sadd.s32 s6, s19  }
0x9e: {  	s9 =	simm.s32 $0x0;
	s20 =	sshll.u32 s7, $0x1;
	s7 =	sadd.s32 s21, s5  }
0x9f: {  	[timem:s9], [sflag:s22] =	dma.local [hbm:s7], s20  }
0xa0: {  	_ =	swait.ge [sflag:s22], s20  }
0xa1: {  	s6 =	ssub.s32 $0x0, s20;
	[sflag:s22] =	ssyncset.done $0x0  }
0xa2: {  	[sflag:s22] =	ssyncadd.s32 s6;
	_ =	sdelay $0x1  }
0xa3: {  	s23 =	simm.s32 $0x1B8B  }
0xa4: {  	_ =	swait.ge [sflag:s23], $0x1  }
0xa5: {  	[sflag:s23] =	ssyncset.done $0x0  }
0xa6: {  	s25 =	simm.s32 $0x1B8E;
	s24 =	sld [smem:$0x3FFE];
	[sflag:s23] =	ssyncadd.s32 $0xFFFFFFFF  }
0xa7: {  	s26 =	simm.s32 $execute0_lowered;
	[smem:$0x3FD2] =	sst s25  }
0xa8: {  	s7 =	sshll.u32 s26, $0x1;
	_ =	strace $0x80000046;
	[dreg:$0x1] =	wrdreg $0xFFFFFFFF  }
0xa9: {  	s28 =	simm.s32 $_size_execute0_lowered;
	s5 =	sadd.s32 s5, s7;
	[dreg:$0x0] =	wrdreg $0x0  }
0xaa: {  	s7 =	sshll.u32 s28, $0x1;
	[dreg:$0x2] =	wrdreg s5  }
0xab: {  	[dreg:$0x3] =	wrdreg s7  }
0xac: {  	[dreg:$0x4] =	wrdreg $0xC0  }
0xad: {  	_ =	task [dreg:s9], $0x5FFFF  }
0xae: {  	[dreg:$0x1] =	wrdreg $0xFFFFFFFF  }
0xaf: {  	[dreg:$0x0] =	wrdreg $0x60  }
0xb0: {  	[dreg:$0x2] =	wrdreg s2  }
0xb1: {  	[dreg:$0x3] =	wrdreg s18  }
0xb2: {  	[dreg:$0x4] =	wrdreg s24  }
0xb3: {  	[dreg:$0x5] =	wrdreg s4  }
0xb4: {  	[dreg:$0x6] =	wrdreg $0x9  }
0xb5: {  	_ =	task.clear_ibuf [dreg:s9], $0x7FFFF;
	_ =	strace $0x90000046  }
0xb6: {  	s29 =	simm.s32 $0x9;
	_ =	strace $0x80000048  }
0xb7: {  	_ =	swait.ge [sflag:s29], $0x1  }
0xb8: {  	[sflag:s29] =	ssyncadd.s32 $0xFFFFFFFF  }
0xb9: {  	_ =	strace $0x90000048  }
0xba: {  	_ =	sfence  }
0xbb: {  	s30 =	sld [smem:$0x0];
	_ =	sdelay $0x2  }
0xbc: {  	s31 =	sshll.u32 s1, $0xD;
	s1 =	sshrl.u32 s1, $0x2  }
0xbd: {  	s3 =	sand.u32 $0x4000, s31;
	s1 =	sadd.s32 s1, s30  }
0xbe: {  	s0 =	sor.u32 s3, s0;
	s1 =	sshll.u32 s1, $0x11  }
0xbf: {  	s0 =	sor.u32 s1, s0  }
0xc0: {  	s0 =	sadd.s32 $0x8F2B, s0  }
0xc1: {  	[sflag:s0] =	ssyncadd.remote.s32 $0x1  }
0xc2: {  	_ =	sfence.sel $0xFFFF  }
0xc3: {  	[dreg:$0x0] =	wrdreg $0xFFFFFFFF;
	(pc) =	sbr.abs _section_cstart, $3  }
0xc4: {  	[dreg:$0x1] =	wrdreg $0xFFFFFFFF  }
0xc5: {  	_ =	task.clear_ibuf [dreg:s9], $0x2FFFF;
	_ =	strace $0x9FFFFFFF  }
0xc6: {  	(tm) =	ssettm $0x7FFFFFFF  }
0xc7: {  	_ =	shalt  }
tec
execute0_lowered:
.L_overlay_start_1:
0x0: {  	(tag) =	ssettag $0x1  }
0x1: {  	s0 =	rddreg [dreg:$0x2]  }
0x2: {  	s3 =	rddreg [dreg:$0x3];
	s1 =	srdreg.scid;
	s5 =	simm.s32 $0x0  }
0x3: {  	s6 =	stileid.u32;
	s11 =	simm.s32 $0xFA00;
	s12 =	simm.s32 $0x1F400  }
0x4: {  	s14 =	simm.s32 $0x1F580;
	s31 =	simm.s32 $0x1FA00;
	s13 =	simm.s32 $0x1FC40  }
0x5: {  	s8 =	simm.s32 $0x1FC88;
	s10 =	simm.s32 $0x1FCD0;
	s15 =	simm.s32 $0x1FD18  }
0x6: {  	v1 =	vlaneseq.u32;
	s16 =	simm.s32 $0x1FD60;
	s17 =	simm.s32 $0x1FDA8;
	s18 =	simm.s32 $0x1FDF0  }
0x7: {  	s19 =	simm.s32 $0x1FE38;
	s1 =	sand.u32 $0x1, s1;
	[smem:$0x7FF] =	sst s5;
	v0 =	vand.u32 $0x3, v1  }
0x8: {  	s6 =	sshll.u32 s6, $0x1;
	s7 =	sadd.s32 $0x400, s0;
	s0 =	sadd.s32 $0x2400, s0;
	v11 =	vmul.u32 $0x2, v0  }
0x9: {  	s2 =	ssub.s32 $0x2, s1;
	_ =	strace $0x80000047;
	s1 =	sor.u32 s1, s6;
	v0 =	vmul.u32 $0x2, v1;
	v1 =	vmul.u32 $0x48, v1  }
0xa: {  	[dreg:$0x5] =	wrdreg s7;
	s4 =	sshrl.u32 s2, $0x1;
	s29 =	smul.u32 $0x1900, s1;
	v2 =	vor.u32 $0xFFFFFFD8, v11  }
0xb: {  	s22 =	simm.s32 $0x0;
	[dreg:$0x6] =	wrdreg s0;
	s2 =	ssub.s32 s2, s4;
	v3 =	vor.u32 $0x1, v0;
	v4 =	vor.u32 $0x1, v1;
	v5 =	vor.u32 $0x2, v1  }
0xc: {  	s6 =	simm.s32 $0x0;
	v6 =	vor.u32 $0x3, v1;
	v7 =	vor.u32 $0x4, v1;
	v8 =	vor.u32 $0x5, v1;
	[dreg:$0x7] =	wrdreg s29;
	s30 =	smax.u32 s2, $0x1  }
0xd: {  	s1 =	simm.s32 $0x1FBB0;
	v9 =	vor.u32 $0x6, v1;
	v10 =	vor.u32 $0x7, v1;
	v11 =	vor.u32 $0xFFFFFFF8, v11;
	s2 =	simm.s32 $0x1FBF8;
	[dreg:$0x8] =	wrdreg s30  }
.LBB2_1:
0xe: {  	[dreg:$0x9] =	wrdreg s6  }
0xf: {  	s0 =	rddreg [dreg:$0x5];
	s4 =	simm.s32 $0x3  }
0x10: {  	[tilespmem:s5], [sflag:$0x3] =	stream.linear.gather [hbm4b:s0+s5], $0xFA00, $0x38;
	[tilespmem:$0x1FE80] =	vst v63  }
0x11: {  	_ =	swait.ge [sflag:s4], $0xFA00  }
0x12: {  	[sflag:s4] =	ssyncset.done $0x0  }
0x13: {  	s30 =	rddreg [dreg:$0x6];
	[sflag:s4] =	ssyncadd.s32 $0xFFFF0600  }
0x14: {  	[tilespmem:s11], [sflag:$0x3] =	stream.linear.gather [hbm4b:s30+s5], $0xFA00, $0x38;
	[tilespmem:$0x1FE80] =	vst v63  }
0x15: {  	_ =	swait.ge [sflag:s4], $0xFA00  }
0x16: {  	[sflag:s4] =	ssyncset.done $0x0  }
0x17: {  	s20 =	simm.s32 $0x0;
	[sflag:s4] =	ssyncadd.s32 $0xFFFF0600  }
.LBB2_2:
0x18: {  	s0 =	sshll.u32 s20, $0x7;
	s4 =	rddreg [dreg:$0x7]  }
0x19: {  	s21 =	sadd.s32 s4, s0  }
0x1a: {  	s26 =	rddreg [dreg:$0x0];
	s0 =	sshrl.u32 s21, $0x2  }
0x1b: {  	s6 =	simm.s32 $0x3;
	s0 =	sadd.s32 s26, s0  }
0x1c: {  	[tilespmem:s12], [sflag:$0x3] =	stream.linear.gather [hbm4b:s0+s22], $0x100, $0x38;
	[tilespmem:$0x1FE80] =	vst v63  }
0x1d: {  	_ =	swait.ge [sflag:s6], $0x100  }
0x1e: {  	[sflag:s6] =	ssyncset.done $0x0  }
0x1f: {  	[sflag:s6] =	ssyncadd.s32 $0xFFFFFF00  }
0x20: {  	s28 =	sshrl.u32 s21, $0x3;
	s29 =	rddreg [dreg:$0x1]  }
0x21: {  	s30 =	simm.s32 $0x1F500;
	s0 =	sadd.s32 s29, s28  }
0x22: {  	[tilespmem:s30], [sflag:$0x3] =	stream.linear.gather [hbm4b:s0+s22], $0x80, $0x38;
	[tilespmem:$0x1FE80] =	vst v63  }
0x23: {  	_ =	swait.ge [sflag:s6], $0x80  }
0x24: {  	[sflag:s6] =	ssyncset.done $0x0  }
0x25: {  	s23 =	simm.s32 $0x0;
	[sflag:s6] =	ssyncadd.s32 $0xFFFFFF80  }
.LBB2_3:
0x26: {  	s0 =	sshll.u32 s23, $0x6;
	s4 =	sor.u32 s20, s23  }
0x27: {  	v12 =	vor.u32 s0, v0;
	p0 =	seq.s32 s4, $0x0;
	v13 =	vor.u32 s0, v3  }
0x28: {  	v12 =	vand.u32 v2, v12;
	s4 =	simm.s32 @!p0 $0x1  }
0x29: {  	_ =	swait.ge @!p0 [sflag:s4], $0x400  }
0x2a: {  	[sflag:s4] =	ssyncset.done @!p0 $0x0  }
0x2b: {  	[sflag:s4] =	ssyncadd.s32 @!p0 $0xFFFFFC00  }
0x2c: {  	v13 =	vld.idx.msk [tilespmem:v13+s12+$0x0], $0xffff  }
0x2d: {  	s24 =	sshll.u32 s23, $0x5;
	v12 =	vld.idx.msk [tilespmem:v12+s12+$0x0], $0xffff  }
0x2e: {  	v14 =	vld [tilespmem:s24+$0x1F500]  }
0x2f: {  	s25 =	simm.s32 $0x7  }
0x30: {  	s6 =	simm.s32 $0x1;
	s9 =	simm.s32 $0x4;
	s26 =	simm.s32 $0x5;
	v40 =	vmov s25  }
0x31: {  	v59 =	vmov s9;
	v62 =	vmov s6;
	v63 =	vmov s26  }
0x32: {  	v54 =	vand.u32 $0x38, v59;
	vm15 =	vgt.s32 v13, $0x0;
	vm0 =	vgt.s32 v12, $0x0  }
0x33: {  	vm1 =	vgt.s32 v14, $0x0;
	v13 =	vnsel vm15, $0x0, v13;
	v12 =	vnsel vm0, $0x0, v12  }
0x34: {  	v20 =	vmin.u32 v13, $0x3E7;
	v17 =	vmin.u32 v12, $0x3E7;
	v12 =	vnsel vm1, $0x0, v14  }
0x35: {  	v13 =	vand.u32 $0x1F, v20;
	v18 =	vand.u32 $0x18, v20;
	v19 =	vand.u32 $0x7, v20  }
0x36: {  	v20 =	vshll.u32 v20, $0x6;
	v22 =	vmin.u32 v12, $0x3E7;
	v12 =	vand.u32 $0x1F, v17  }
0x37: {  	s29 =	simm.s32 $0x2;
	v15 =	vand.u32 $0x18, v17;
	v16 =	vand.u32 $0x7, v17;
	v17 =	vshll.u32 v17, $0x6  }
0x38: {  	v24 =	vxor.u32 s6, v13;
	v26 =	vxor.u32 s29, v13;
	v29 =	vxor.u32 s9, v13  }
0x39: {  	v32 =	vxor.u32 s26, v13;
	v14 =	vand.u32 $0x1F, v22;
	v24 =	vor.u32 v20, v24  }
0x3a: {  	v21 =	vand.u32 $0x18, v22;
	v23 =	vand.u32 $0x7, v22;
	v32 =	vor.u32 v20, v32  }
0x3b: {  	v22 =	vshll.u32 v22, $0x6;
	v25 =	vxor.u32 s6, v12;
	v29 =	vor.u32 v20, v29  }
0x3c: {  	s7 =	simm.s32 $0x6;
	v27 =	vxor.u32 s9, v12;
	v31 =	vxor.u32 s25, v12;
	v26 =	vor.u32 v20, v26  }
0x3d: {  	v33 =	vxor.u32 s7, v12;
	v30 =	vxor.u32 s6, v14;
	v25 =	vor.u32 v17, v25  }
0x3e: {  	v31 =	vor.u32 v17, v31;
	v34 =	vor.u32 v17, v27;
	v27 =	vxor.u32 s7, v13;
	v39 =	vld.idx.msk [tilespmem:v24+s5+$0x0], $0xffff  }
0x3f: {  	v43 =	vor.u32 v22, v30;
	v30 =	vxor.u32 s22, v15;
	v44 =	vor.u32 v20, v27;
	v27 =	vld.idx.msk [tilespmem:v32+s5+$0x0], $0xffff  }
0x40: {  	v33 =	vor.u32 v17, v33;
	v35 =	vxor.u32 s7, v14;
	v30 =	vor.u32 v30, v16;
	v48 =	vld.idx.msk [tilespmem:v29+s5+$0x0], $0xffff  }
0x41: {  	s30 =	simm.s32 $0x3;
	v46 =	vor.u32 v17, v30;
	v30 =	vor.u32 v22, v35;
	v35 =	vand.u32 $0x38, v40;
	v40 =	vld.idx.msk [tilespmem:v26+s5+$0x0], $0xffff  }
0x42: {  	v28 =	vxor.u32 s30, v12;
	v37 =	vxor.u32 s29, v12;
	v24 =	vxor.u32 s9, v14;
	v42 =	vld.idx.msk [tilespmem:v25+s5+$0x0], $0xffff  }
0x43: {  	v60 =	vxor.u32 s25, v14;
	v25 =	vor.u32 v22, v24;
	v24 =	vld.idx.msk [tilespmem:v31+s5+$0x0], $0xffff;
	v31 =	vxor.u32 s22, v18  }
0x44: {  	v58 =	vxor.u32 s26, v12;
	v61 =	vor.u32 v22, v60;
	v50 =	vld.idx.msk [tilespmem:v34+s5+$0x0], $0xffff;
	v31 =	vor.u32 v31, v19  }
0x45: {  	v52 =	vld.idx.msk [tilespmem:v33+s5+$0x0], $0xffff;
	v49 =	vor.u32 v20, v31;
	v31 =	vor.u32 v17, v28;
	v28 =	vor.u32 v17, v37  }
0x46: {  	v55 =	vand.u32 $0x38, v62;
	v57 =	vxor.u32 s30, v13;
	v53 =	vld.idx.msk [tilespmem:v44+s5+$0x0], $0xffff;
	v37 =	vor.u32 v17, v58  }
0x47: {  	v36 =	vxor.u32 s25, v13;
	v38 =	vxor.u32 s26, v14;
	v32 =	vor.u32 v20, v57;
	v44 =	vld.idx.msk [tilespmem:v43+s11+$0x0], $0xffff  }
0x48: {  	v41 =	vxor.u32 s29, v14;
	v51 =	vor.u32 v22, v38;
	v29 =	vxor.u32 s30, v14;
	v34 =	vld.idx.msk [tilespmem:v25+s11+$0x0], $0xffff  }
0x49: {  	v26 =	vmov s29;
	v57 =	vand.u32 $0x38, v63;
	v50 =	vadd.f32 v48, v50;
	v48 =	vld.idx.msk [tilespmem:v61+s11+$0x0], $0xffff  }
0x4a: {  	v29 =	vor.u32 v22, v29;
	v56 =	vand.u32 $0x38, v26;
	v33 =	vadd.s32 v10, v35;
	v45 =	vld.idx.msk [tilespmem:v28+s5+$0x0], $0xffff  }
0x4b: {  	v26 =	vmov s30;
	v43 =	vor.u32 v22, v41;
	v25 =	vor.u32 v20, v36;
	v47 =	vld.idx.msk [tilespmem:v37+s5+$0x0], $0xffff  }
0x4c: {  	v26 =	vand.u32 $0x38, v26;
	v41 =	vadd.s32 v4, v55;
	v39 =	vadd.f32 v39, v42;
	v37 =	vld.idx.msk [tilespmem:v32+s5+$0x0], $0xffff  }
0x4d: {  	v35 =	vadd.s32 v5, v56;
	v26 =	vadd.s32 v6, v26;
	v58 =	vxor.u32 s22, v21;
	v32 =	vld.idx.msk [tilespmem:v46+s5+$0x0], $0xffff  }
0x4e: {  	v42 =	vadd.s32 v8, v57;
	v28 =	vmov s7;
	v46 =	vld.idx.msk [tilespmem:v51+s11+$0x0], $0xffff;
	v44 =	vadd.f32 v44, v39  }
0x4f: {  	v36 =	vld.idx.msk [tilespmem:v49+s5+$0x0], $0xffff;
	v51 =	vor.u32 v58, v23;
	v49 =	vadd.s32 v7, v54;
	v28 =	vand.u32 $0x38, v28  }
0x50: {  	s4 =	simm.s32 $0x8;
	s25 =	sadd.s32 s21, s24;
	v39 =	vadd.f32 v53, v52;
	v28 =	vadd.s32 v9, v28;
	v38 =	vld.idx.msk [tilespmem:v25+s5+$0x0], $0xffff;
	v25 =	vadd.s32 s22, v1  }
.LBB2_4:
0x51: {  	s0 =	sadd.s32 $0x1, s4  }
0x52: {  	s29 =	sadd.s32 $0x2, s4;
	v51 =	vor.u32 v22, v51;
	v43 =	vld.idx.msk [tilespmem:v43+s11+$0x0], $0xffff;
	v40 =	vadd.f32 v40, v45;
	v34 =	vadd.f32 v34, v50;
	s28 =	smov.u32 s4;
	s26 =	sadd.s32 $0x8, s4  }
0x53: {  	p1 =	slt.u32 s4, $0x38;
	v27 =	vadd.f32 v27, v47;
	v45 =	vxor.u32 s0, v12;
	v50 =	vxor.u32 s0, v13;
	s30 =	sadd.s32 $0x3, s28;
	v31 =	vld.idx.msk [tilespmem:v31+s5+$0x0], $0xffff  }
0x54: {  	s7 =	sadd.s32 $0x4, s28;
	s6 =	sadd.s32 $0x5, s28;
	v47 =	vor.u32 v20, v50;
	v50 =	vxor.u32 s29, v13;
	v52 =	vxor.u32 s30, v12;
	v29 =	vld.idx.msk [tilespmem:v29+s11+$0x0], $0xffff  }
0x55: {  	v24 =	vadd.f32 v38, v24;
	s4 =	sadd.s32 $0x6, s28;
	v53 =	vxor.u32 s7, v12;
	v54 =	vxor.u32 s7, v13;
	v30 =	vld.idx.msk [tilespmem:v30+s11+$0x0], $0xffff  }
0x56: {  	v38 =	vxor.u32 s0, v14;
	s9 =	sadd.s32 $0x7, s28;
	v55 =	vxor.u32 s6, v13;
	v56 =	vxor.u32 s4, v12;
	[tilespmem:v49+s14+$0x0] =	vst.idx.msk $0xffff, v34  }
0x57: {  	v24 =	vadd.f32 v48, v24;
	v49 =	vor.u32 v17, v56;
	v34 =	vxor.u32 s9, v12  }
0x58: {  	v45 =	vor.u32 v17, v45;
	v27 =	vadd.f32 v46, v27;
	v34 =	vor.u32 v17, v34  }
0x59: {  	v46 =	vor.u32 v20, v55;
	v48 =	vxor.u32 s4, v14;
	v55 =	vxor.u32 s9, v13;
	[tilespmem:v41+s14+$0x0] =	vst.idx.msk $0xffff, v44  }
0x5a: {  	v31 =	vadd.f32 v37, v31;
	v41 =	vxor.u32 s29, v12;
	v44 =	vor.u32 v17, v53;
	[tilespmem:v42+s14+$0x0] =	vst.idx.msk $0xffff, v27  }
0x5b: {  	v37 =	vor.u32 v20, v54;
	v53 =	vmov s9;
	v42 =	vxor.u32 s6, v14;
	v51 =	vld.idx.msk [tilespmem:v51+s11+$0x0], $0xffff;
	[tilespmem:v33+s14+$0x0] =	vst.idx.msk $0xffff, v24  }
0x5c: {  	v40 =	vadd.f32 v43, v40;
	v33 =	vxor.u32 s29, v14;
	v24 =	vxor.u32 s7, v14;
	v54 =	vld.idx.msk [tilespmem:v47+s5+$0x0], $0xffff  }
0x5d: {  	v38 =	vor.u32 v22, v38;
	v43 =	vor.u32 v22, v24;
	v24 =	vxor.u32 s4, v13;
	v56 =	vld.idx.msk [tilespmem:v45+s5+$0x0], $0xffff  }
0x5e: {  	v39 =	vadd.f32 v30, v39;
	v45 =	vxor.u32 s30, v13;
	v47 =	vor.u32 v20, v24;
	v24 =	vld.idx.msk [tilespmem:v34+s5+$0x0], $0xffff  }
0x5f: {  	v30 =	vxor.u32 s28, v15;
	v34 =	vxor.u32 s28, v18;
	v27 =	vld.idx.msk [tilespmem:v46+s5+$0x0], $0xffff;
	[tilespmem:v35+s14+$0x0] =	vst.idx.msk $0xffff, v40;
	v35 =	vadd.f32 v29, v31  }
0x60: {  	v32 =	vadd.f32 v36, v32;
	v29 =	vor.u32 v30, v16;
	v30 =	vor.u32 v34, v19;
	v57 =	vld.idx.msk [tilespmem:v37+s5+$0x0], $0xffff  }
0x61: {  	v36 =	vor.u32 v17, v29;
	v58 =	vor.u32 v20, v30;
	v37 =	vor.u32 v20, v50;
	v50 =	vld.idx.msk [tilespmem:v44+s5+$0x0], $0xffff  }
0x62: {  	v31 =	vor.u32 v17, v52;
	v29 =	vxor.u32 s30, v14;
	v32 =	vadd.f32 v51, v32;
	v34 =	vld.idx.msk [tilespmem:v43+s11+$0x0], $0xffff  }
0x63: {  	v30 =	vor.u32 v22, v48;
	v29 =	vor.u32 v22, v29;
	v44 =	vor.u32 v20, v55;
	v52 =	vld.idx.msk [tilespmem:v49+s5+$0x0], $0xffff  }
0x64: {  	v41 =	vor.u32 v17, v41;
	v40 =	vxor.u32 s6, v12;
	v46 =	vand.u32 $0x38, v53;
	v55 =	vld.idx.msk [tilespmem:v47+s5+$0x0], $0xffff;
	[tilespmem:v28+s14+$0x0] =	vst.idx.msk $0xffff, v39  }
0x65: {  	v28 =	vmov s7;
	v47 =	vor.u32 v17, v40;
	v39 =	vld.idx.msk [tilespmem:v38+s11+$0x0], $0xffff;
	v38 =	vxor.u32 s9, v14;
	[tilespmem:v26+s14+$0x0] =	vst.idx.msk $0xffff, v35  }
0x66: {  	v26 =	vor.u32 v20, v45;
	v49 =	vand.u32 $0x38, v28;
	v48 =	vor.u32 v22, v38;
	[tilespmem:v25+s14+$0x0] =	vst.idx.msk $0xffff, v32  }
0x67: {  	v42 =	vor.u32 v22, v42;
	v43 =	vor.u32 v22, v33;
	v25 =	vmov s0;
	v40 =	vld.idx.msk [tilespmem:v37+s5+$0x0], $0xffff  }
0x68: {  	v28 =	vmov s6;
	v35 =	vand.u32 $0x38, v25;
	v25 =	vmov s29;
	v38 =	vld.idx.msk [tilespmem:v44+s5+$0x0], $0xffff  }
0x69: {  	v33 =	vadd.s32 v10, v46;
	v51 =	vand.u32 $0x38, v28;
	v44 =	vand.u32 $0x38, v25;
	v45 =	vld.idx.msk [tilespmem:v41+s5+$0x0], $0xffff  }
0x6a: {  	v28 =	vmov s30;
	v32 =	vmov s4;
	v47 =	vld.idx.msk [tilespmem:v47+s5+$0x0], $0xffff  }
.Ltmp0:
0x6b: {  	v25 =	vadd.s32 s28, v1;
	v37 =	vld.idx.msk [tilespmem:v26+s5+$0x0], $0xffff;
	v26 =	vand.u32 $0x38, v28;
	v28 =	vand.u32 $0x38, v32;
	(pc) =	sbr.rel @p1 .LBB2_4-.Ltmp0, $4  }
0x6c: {  	v32 =	vld.idx.msk [tilespmem:v36+s5+$0x0], $0xffff;
	v36 =	vadd.f32 v54, v56;
	v26 =	vadd.s32 v6, v26;
	v28 =	vadd.s32 v9, v28  }
0x6d: {  	v53 =	vxor.u32 s28, v21;
	v41 =	vadd.s32 v4, v35;
	v35 =	vadd.s32 v5, v44;
	v46 =	vld.idx.msk [tilespmem:v42+s11+$0x0], $0xffff  }
0x6e: {  	v50 =	vadd.f32 v57, v50;
	v42 =	vadd.s32 v8, v51;
	v44 =	vadd.f32 v39, v36;
	v48 =	vld.idx.msk [tilespmem:v48+s11+$0x0], $0xffff  }
0x6f: {  	v49 =	vadd.s32 v7, v49;
	s4 =	smov.u32 s26;
	v51 =	vor.u32 v53, v23;
	v39 =	vadd.f32 v55, v52;
	v36 =	vld.idx.msk [tilespmem:v58+s5+$0x0], $0xffff  }
0x70: {  	_ =	sdelay $0x2  }
0x71: {  	v12 =	vor.u32 v22, v51  }
0x72: {  	v13 =	vld.idx.msk [tilespmem:v43+s11+$0x0], $0xffff  }
0x73: {  	v14 =	vld.idx.msk [tilespmem:v31+s5+$0x0], $0xffff  }
0x74: {  	v15 =	vadd.f32 v34, v50;
	v16 =	vadd.f32 v27, v47;
	v17 =	vld.idx.msk [tilespmem:v30+s11+$0x0], $0xffff  }
0x75: {  	v18 =	vld.idx.msk [tilespmem:v29+s11+$0x0], $0xffff;
	v19 =	vadd.f32 v38, v24  }
0x76: {  	v20 =	vadd.f32 v40, v45;
	[tilespmem:v49+s14+$0x0] =	vst.idx.msk $0xffff, v15;
	v15 =	vadd.f32 v46, v16;
	v12 =	vld.idx.msk [tilespmem:v12+s11+$0x0], $0xffff  }
0x77: {  	[tilespmem:v41+s14+$0x0] =	vst.idx.msk $0xffff, v44;
	v16 =	vadd.f32 v48, v19  }
0x78: {  	[tilespmem:v42+s14+$0x0] =	vst.idx.msk $0xffff, v15;
	v14 =	vadd.f32 v37, v14;
	v13 =	vadd.f32 v13, v20  }
0x79: {  	[tilespmem:v33+s14+$0x0] =	vst.idx.msk $0xffff, v16;
	v15 =	vadd.f32 v17, v39;
	v16 =	vadd.f32 v36, v32  }
0x7a: {  	[tilespmem:v35+s14+$0x0] =	vst.idx.msk $0xffff, v13;
	v13 =	vadd.f32 v18, v14  }
0x7b: {  	[tilespmem:v28+s14+$0x0] =	vst.idx.msk $0xffff, v15;
	v12 =	vadd.f32 v12, v16  }
0x7c: {  	s0 =	sshll.u32 s25, $0x4;
	[tilespmem:v26+s14+$0x0] =	vst.idx.msk $0xffff, v13  }
0x7d: {  	s0 =	sadd.s32 s3, s0;
	[tilespmem:v25+s14+$0x0] =	vst.idx.msk $0xffff, v12  }
0x7e: {  	[hbm4b:s0+s5] =	stream.linear.scatter [tilespmem:s14], [sflag:$0x1], $0x40, $0x38;
	[tilespmem:$0x1FE80] =	vst v63  }
0x7f: {  	s6 =	simm.s32 $0x1F5C8;
	s4 =	sadd.s32 $0x10, s0  }
0x80: {  	[hbm4b:s4+s5] =	stream.linear.scatter [tilespmem:s6], [sflag:$0x1], $0x40, $0x38;
	[tilespmem:$0x1FE80] =	vst v63  }
0x81: {  	s28 =	simm.s32 $0x1F610;
	s26 =	sadd.s32 $0x20, s0  }
0x82: {  	[hbm4b:s26+s5] =	stream.linear.scatter [tilespmem:s28], [sflag:$0x1], $0x40, $0x38;
	[tilespmem:$0x1FE80] =	vst v63  }
0x83: {  	s30 =	simm.s32 $0x1F658;
	s29 =	sadd.s32 $0x30, s0  }
0x84: {  	[hbm4b:s29+s5] =	stream.linear.scatter [tilespmem:s30], [sflag:$0x1], $0x40, $0x38;
	[tilespmem:$0x1FE80] =	vst v63  }
0x85: {  	s7 =	simm.s32 $0x1F6A0;
	s6 =	sadd.s32 $0x40, s0  }
0x86: {  	[hbm4b:s6+s5] =	stream.linear.scatter [tilespmem:s7], [sflag:$0x1], $0x40, $0x38;
	[tilespmem:$0x1FE80] =	vst v63  }
0x87: {  	s25 =	simm.s32 $0x1F6E8;
	s9 =	sadd.s32 $0x50, s0  }
0x88: {  	[hbm4b:s9+s5] =	stream.linear.scatter [tilespmem:s25], [sflag:$0x1], $0x40, $0x38;
	[tilespmem:$0x1FE80] =	vst v63  }
0x89: {  	s26 =	sadd.s32 $0x60, s0;
	s28 =	simm.s32 $0x1F730  }
0x8a: {  	[hbm4b:s26+s5] =	stream.linear.scatter [tilespmem:s28], [sflag:$0x1], $0x40, $0x38;
	[tilespmem:$0x1FE80] =	vst v63  }
0x8b: {  	s29 =	sadd.s32 $0x70, s0;
	s30 =	simm.s32 $0x1F778  }
0x8c: {  	[hbm4b:s29+s5] =	stream.linear.scatter [tilespmem:s30], [sflag:$0x1], $0x40, $0x38;
	[tilespmem:$0x1FE80] =	vst v63  }
0x8d: {  	s6 =	sadd.s32 $0x80, s0;
	s7 =	simm.s32 $0x1F7C0  }
0x8e: {  	[hbm4b:s6+s5] =	stream.linear.scatter [tilespmem:s7], [sflag:$0x1], $0x40, $0x38;
	[tilespmem:$0x1FE80] =	vst v63  }
0x8f: {  	s9 =	sadd.s32 $0x90, s0;
	s25 =	simm.s32 $0x1F808  }
0x90: {  	[hbm4b:s9+s5] =	stream.linear.scatter [tilespmem:s25], [sflag:$0x1], $0x40, $0x38;
	[tilespmem:$0x1FE80] =	vst v63  }
0x91: {  	s26 =	sadd.s32 $0xA0, s0;
	s28 =	simm.s32 $0x1F850  }
0x92: {  	[hbm4b:s26+s5] =	stream.linear.scatter [tilespmem:s28], [sflag:$0x1], $0x40, $0x38;
	[tilespmem:$0x1FE80] =	vst v63  }
0x93: {  	s29 =	sadd.s32 $0xB0, s0;
	s30 =	simm.s32 $0x1F898  }
0x94: {  	[hbm4b:s29+s5] =	stream.linear.scatter [tilespmem:s30], [sflag:$0x1], $0x40, $0x38;
	[tilespmem:$0x1FE80] =	vst v63  }
0x95: {  	s6 =	sadd.s32 $0xC0, s0;
	s7 =	simm.s32 $0x1F8E0  }
0x96: {  	[hbm4b:s6+s5] =	stream.linear.scatter [tilespmem:s7], [sflag:$0x1], $0x40, $0x38;
	[tilespmem:$0x1FE80] =	vst v63  }
0x97: {  	s24 =	sor.u32 $0x10, s24;
	s9 =	sadd.s32 $0xD0, s0;
	s25 =	simm.s32 $0x1F928  }
0x98: {  	[hbm4b:s9+s5] =	stream.linear.scatter [tilespmem:s25], [sflag:$0x1], $0x40, $0x38;
	[tilespmem:$0x1FE80] =	vst v63  }
0x99: {  	s26 =	sadd.s32 $0xE0, s0;
	s28 =	simm.s32 $0x1F970;
	s29 =	sshll.u32 s24, $0x1  }
0x9a: {  	[hbm4b:s26+s5] =	stream.linear.scatter [tilespmem:s28], [sflag:$0x1], $0x40, $0x38;
	[tilespmem:$0x1FE80] =	vst v63  }
0x9b: {  	s0 =	sadd.s32 $0xF0, s0;
	s30 =	simm.s32 $0x1F9B8;
	v12 =	vor.u32 s29, v0  }
0x9c: {  	v12 =	vand.u32 v11, v12;
	[hbm4b:s0+s5] =	stream.linear.scatter [tilespmem:s30], [sflag:$0x1], $0x40, $0x38;
	[tilespmem:$0x1FE80] =	vst v63  }
0x9d: {  	v13 =	vor.u32 s29, v3;
	s0 =	simm.s32 @!p0 $0x2  }
0x9e: {  	_ =	swait.ge @!p0 [sflag:s0], $0x400  }
0x9f: {  	[sflag:s0] =	ssyncset.done @!p0 $0x0  }
0xa0: {  	[sflag:s0] =	ssyncadd.s32 @!p0 $0xFFFFFC00  }
0xa1: {  	v12 =	vld.idx.msk [tilespmem:v12+s12+$0x0], $0xffff  }
0xa2: {  	v13 =	vld.idx.msk [tilespmem:v13+s12+$0x0], $0xffff  }
0xa3: {  	s29 =	simm.s32 $0x6;
	v14 =	vld [tilespmem:s24+$0x1F500]  }
0xa4: {  	s6 =	simm.s32 $0x4;
	s7 =	simm.s32 $0x1;
	v53 =	vmov s29;
	s9 =	simm.s32 $0x7  }
0xa5: {  	v25 =	vmov s6;
	v35 =	vmov s7;
	s25 =	simm.s32 $0x2;
	v29 =	vmov s9  }
0xa6: {  	v35 =	vand.u32 $0x38, v35;
	v39 =	vmov s25;
	s26 =	simm.s32 $0x5;
	v29 =	vand.u32 $0x38, v29  }
0xa7: {  	v39 =	vand.u32 $0x38, v39;
	v41 =	vmov s26;
	vm0 =	vgt.s32 v12, $0x0  }
0xa8: {  	vm15 =	vgt.s32 v13, $0x0;
	vm1 =	vgt.s32 v14, $0x0;
	v12 =	vnsel vm0, $0x0, v12  }
0xa9: {  	s28 =	simm.s32 $0x3;
	v13 =	vnsel vm15, $0x0, v13;
	v19 =	vmin.u32 v12, $0x3E7;
	v12 =	vnsel vm1, $0x0, v14  }
0xaa: {  	v48 =	vmov s28;
	v21 =	vmin.u32 v13, $0x3E7;
	v23 =	vmin.u32 v12, $0x3E7  }
0xab: {  	v12 =	vand.u32 $0x1F, v19;
	v13 =	vand.u32 $0x1F, v21;
	v15 =	vshll.u32 v19, $0x6  }
0xac: {  	v17 =	vshll.u32 v21, $0x6;
	v14 =	vand.u32 $0x1F, v23;
	v26 =	vxor.u32 s7, v13  }
0xad: {  	v16 =	vshll.u32 v23, $0x6;
	v24 =	vxor.u32 s7, v12;
	v26 =	vor.u32 v17, v26  }
0xae: {  	v18 =	vxor.u32 s6, v12;
	v27 =	vxor.u32 s9, v12;
	v24 =	vor.u32 v15, v24  }
0xaf: {  	v20 =	vxor.u32 s6, v13;
	v55 =	vxor.u32 s26, v13;
	v27 =	vor.u32 v15, v27  }
0xb0: {  	v28 =	vxor.u32 s9, v13;
	v31 =	vxor.u32 s25, v13;
	v32 =	vor.u32 v17, v55  }
0xb1: {  	v34 =	vxor.u32 s25, v12;
	v38 =	vxor.u32 s26, v12;
	v56 =	vor.u32 v17, v20  }
0xb2: {  	v42 =	vxor.u32 s28, v12;
	v46 =	vxor.u32 s28, v13;
	v57 =	vor.u32 v15, v18;
	v26 =	vld.idx.msk [tilespmem:v26+s5+$0x0], $0xffff  }
0xb3: {  	v22 =	vxor.u32 s6, v14;
	v33 =	vxor.u32 s9, v14;
	v61 =	vor.u32 v17, v31;
	v45 =	vld.idx.msk [tilespmem:v24+s5+$0x0], $0xffff  }
0xb4: {  	v30 =	vxor.u32 s7, v14;
	v36 =	vxor.u32 s26, v14;
	v28 =	vor.u32 v17, v28;
	v24 =	vld.idx.msk [tilespmem:v27+s5+$0x0], $0xffff  }
0xb5: {  	v37 =	vxor.u32 s25, v14;
	v20 =	vxor.u32 s29, v12;
	v50 =	vor.u32 v15, v38;
	v27 =	vld.idx.msk [tilespmem:v32+s5+$0x0], $0xffff  }
0xb6: {  	v47 =	vxor.u32 s28, v14;
	v18 =	vand.u32 $0x18, v19;
	v58 =	vor.u32 v16, v22;
	v51 =	vld.idx.msk [tilespmem:v56+s5+$0x0], $0xffff  }
0xb7: {  	s30 =	simm.s32 $0x0;
	v19 =	vand.u32 $0x7, v19;
	v62 =	vxor.u32 s29, v14;
	v59 =	vor.u32 v15, v20;
	v52 =	vld.idx.msk [tilespmem:v57+s5+$0x0], $0xffff  }
0xb8: {  	v49 =	vor.u32 v15, v34;
	v30 =	vor.u32 v16, v30;
	v31 =	vxor.u32 s30, v18;
	v40 =	vld.idx.msk [tilespmem:v61+s5+$0x0], $0xffff  }
0xb9: {  	v34 =	vor.u32 v15, v42;
	v20 =	vxor.u32 s29, v13;
	v31 =	vor.u32 v31, v19;
	v38 =	vld.idx.msk [tilespmem:v28+s5+$0x0], $0xffff  }
0xba: {  	v60 =	vor.u32 v17, v20;
	v56 =	vor.u32 v15, v31;
	v31 =	vor.u32 v16, v47;
	v47 =	vld.idx.msk [tilespmem:v50+s5+$0x0], $0xffff  }
0xbb: {  	v42 =	vand.u32 $0x38, v41;
	v41 =	vadd.s32 v4, v35;
	v35 =	vadd.s32 v5, v39;
	v32 =	vld.idx.msk [tilespmem:v58+s11+$0x0], $0xffff  }
0xbc: {  	v22 =	vand.u32 $0x18, v23;
	v36 =	vor.u32 v16, v36;
	v20 =	vand.u32 $0x18, v21;
	v54 =	vld.idx.msk [tilespmem:v59+s5+$0x0], $0xffff  }
0xbd: {  	v21 =	vand.u32 $0x7, v21;
	v63 =	vxor.u32 s30, v20;
	v61 =	vor.u32 v16, v33;
	v58 =	vld.idx.msk [tilespmem:v30+s11+$0x0], $0xffff  }
0xbe: {  	v23 =	vand.u32 $0x7, v23;
	v44 =	vor.u32 v63, v21;
	v59 =	vor.u32 v17, v46;
	v46 =	vld.idx.msk [tilespmem:v49+s5+$0x0], $0xffff  }
0xbf: {  	v42 =	vadd.s32 v8, v42;
	v63 =	vxor.u32 s30, v22;
	v57 =	vor.u32 v17, v44;
	v55 =	vld.idx.msk [tilespmem:v60+s5+$0x0], $0xffff  }
0xc0: {  	v44 =	vor.u32 v16, v37;
	v33 =	vadd.s32 v10, v29;
	v28 =	vand.u32 $0x38, v48;
	v29 =	vld.idx.msk [tilespmem:v56+s5+$0x0], $0xffff  }
0xc1: {  	v30 =	vor.u32 v16, v62;
	v60 =	vand.u32 $0x38, v25;
	v62 =	vadd.f32 v26, v45;
	v45 =	vld.idx.msk [tilespmem:v36+s11+$0x0], $0xffff  }
0xc2: {  	v25 =	vadd.s32 s30, v1;
	v49 =	vadd.s32 v7, v60;
	v26 =	vadd.s32 v6, v28;
	v48 =	vld.idx.msk [tilespmem:v61+s11+$0x0], $0xffff  }
0xc3: {  	v50 =	vadd.f32 v51, v52;
	v51 =	vor.u32 v63, v23;
	v37 =	vld.idx.msk [tilespmem:v59+s5+$0x0], $0xffff;
	v59 =	vand.u32 $0x38, v53  }
0xc4: {  	s4 =	simm.s32 $0x8;
	s24 =	sadd.s32 s21, s24;
	v36 =	vld.idx.msk [tilespmem:v57+s5+$0x0], $0xffff;
	v28 =	vadd.s32 v9, v59;
	v43 =	vadd.f32 v58, v62;
	v39 =	vadd.f32 v55, v54  }
.LBB2_6:
0xc5: {  	s0 =	sadd.s32 $0x1, s4  }
0xc6: {  	s28 =	sadd.s32 $0x2, s4;
	v51 =	vor.u32 v16, v51;
	v44 =	vld.idx.msk [tilespmem:v44+s11+$0x0], $0xffff;
	v40 =	vadd.f32 v40, v46;
	v32 =	vadd.f32 v32, v50;
	s26 =	smov.u32 s4;
	s25 =	sadd.s32 $0x8, s4  }
0xc7: {  	p0 =	slt.u32 s4, $0x38;
	v27 =	vadd.f32 v27, v47;
	v46 =	vxor.u32 s0, v12;
	v50 =	vxor.u32 s0, v13;
	s29 =	sadd.s32 $0x3, s26;
	v34 =	vld.idx.msk [tilespmem:v34+s5+$0x0], $0xffff  }
0xc8: {  	s7 =	sadd.s32 $0x4, s26;
	s6 =	sadd.s32 $0x5, s26;
	v47 =	vor.u32 v17, v50;
	v50 =	vxor.u32 s28, v13;
	v52 =	vxor.u32 s29, v12;
	v31 =	vld.idx.msk [tilespmem:v31+s11+$0x0], $0xffff  }
0xc9: {  	v24 =	vadd.f32 v38, v24;
	s4 =	sadd.s32 $0x6, s26;
	v53 =	vxor.u32 s7, v12;
	v54 =	vxor.u32 s7, v13;
	v30 =	vld.idx.msk [tilespmem:v30+s11+$0x0], $0xffff  }
0xca: {  	v38 =	vxor.u32 s0, v14;
	s9 =	sadd.s32 $0x7, s26;
	v55 =	vxor.u32 s6, v13;
	v56 =	vxor.u32 s4, v12;
	[tilespmem:v49+s31+$0x0] =	vst.idx.msk $0xffff, v32  }
0xcb: {  	v24 =	vadd.f32 v48, v24;
	v49 =	vor.u32 v15, v56;
	v32 =	vxor.u32 s9, v12  }
0xcc: {  	v46 =	vor.u32 v15, v46;
	v27 =	vadd.f32 v45, v27;
	v32 =	vor.u32 v15, v32  }
0xcd: {  	v45 =	vor.u32 v17, v55;
	v48 =	vxor.u32 s4, v14;
	v55 =	vxor.u32 s9, v13;
	[tilespmem:v41+s31+$0x0] =	vst.idx.msk $0xffff, v43  }
0xce: {  	v34 =	vadd.f32 v37, v34;
	v41 =	vxor.u32 s28, v12;
	v43 =	vor.u32 v15, v53;
	[tilespmem:v42+s31+$0x0] =	vst.idx.msk $0xffff, v27  }
0xcf: {  	v37 =	vor.u32 v17, v54;
	v53 =	vmov s9;
	v42 =	vxor.u32 s6, v14;
	v51 =	vld.idx.msk [tilespmem:v51+s11+$0x0], $0xffff;
	[tilespmem:v33+s31+$0x0] =	vst.idx.msk $0xffff, v24  }
0xd0: {  	v40 =	vadd.f32 v44, v40;
	v33 =	vxor.u32 s28, v14;
	v24 =	vxor.u32 s7, v14;
	v54 =	vld.idx.msk [tilespmem:v47+s5+$0x0], $0xffff  }
0xd1: {  	v38 =	vor.u32 v16, v38;
	v44 =	vor.u32 v16, v24;
	v24 =	vxor.u32 s4, v13;
	v56 =	vld.idx.msk [tilespmem:v46+s5+$0x0], $0xffff  }
0xd2: {  	v39 =	vadd.f32 v30, v39;
	v46 =	vxor.u32 s29, v13;
	v47 =	vor.u32 v17, v24;
	v24 =	vld.idx.msk [tilespmem:v32+s5+$0x0], $0xffff  }
0xd3: {  	v30 =	vxor.u32 s26, v18;
	v32 =	vxor.u32 s26, v20;
	v27 =	vld.idx.msk [tilespmem:v45+s5+$0x0], $0xffff;
	[tilespmem:v35+s31+$0x0] =	vst.idx.msk $0xffff, v40;
	v35 =	vadd.f32 v31, v34  }
0xd4: {  	v29 =	vadd.f32 v36, v29;
	v30 =	vor.u32 v30, v19;
	v31 =	vor.u32 v32, v21;
	v57 =	vld.idx.msk [tilespmem:v37+s5+$0x0], $0xffff  }
0xd5: {  	v36 =	vor.u32 v15, v30;
	v58 =	vor.u32 v17, v31;
	v37 =	vor.u32 v17, v50;
	v50 =	vld.idx.msk [tilespmem:v43+s5+$0x0], $0xffff  }
0xd6: {  	v30 =	vxor.u32 s29, v14;
	v34 =	vor.u32 v15, v52;
	v29 =	vadd.f32 v51, v29;
	v32 =	vld.idx.msk [tilespmem:v44+s11+$0x0], $0xffff  }
0xd7: {  	v31 =	vor.u32 v16, v30;
	v30 =	vor.u32 v16, v48;
	v43 =	vor.u32 v17, v55;
	v52 =	vld.idx.msk [tilespmem:v49+s5+$0x0], $0xffff  }
0xd8: {  	v41 =	vor.u32 v15, v41;
	v40 =	vxor.u32 s6, v12;
	v45 =	vand.u32 $0x38, v53;
	v55 =	vld.idx.msk [tilespmem:v47+s5+$0x0], $0xffff;
	[tilespmem:v28+s31+$0x0] =	vst.idx.msk $0xffff, v39  }
0xd9: {  	v28 =	vmov s7;
	v47 =	vor.u32 v15, v40;
	v39 =	vld.idx.msk [tilespmem:v38+s11+$0x0], $0xffff;
	v38 =	vxor.u32 s9, v14;
	[tilespmem:v26+s31+$0x0] =	vst.idx.msk $0xffff, v35  }
0xda: {  	v26 =	vor.u32 v17, v46;
	v49 =	vand.u32 $0x38, v28;
	v48 =	vor.u32 v16, v38;
	[tilespmem:v25+s31+$0x0] =	vst.idx.msk $0xffff, v29  }
0xdb: {  	v42 =	vor.u32 v16, v42;
	v44 =	vor.u32 v16, v33;
	v25 =	vmov s0;
	v40 =	vld.idx.msk [tilespmem:v37+s5+$0x0], $0xffff  }
0xdc: {  	v28 =	vmov s6;
	v35 =	vand.u32 $0x38, v25;
	v25 =	vmov s28;
	v38 =	vld.idx.msk [tilespmem:v43+s5+$0x0], $0xffff  }
0xdd: {  	v33 =	vadd.s32 v10, v45;
	v51 =	vand.u32 $0x38, v28;
	v43 =	vand.u32 $0x38, v25;
	v46 =	vld.idx.msk [tilespmem:v41+s5+$0x0], $0xffff  }
0xde: {  	v28 =	vmov s29;
	v29 =	vmov s4;
	v47 =	vld.idx.msk [tilespmem:v47+s5+$0x0], $0xffff  }
.Ltmp1:
0xdf: {  	v25 =	vadd.s32 s26, v1;
	v37 =	vld.idx.msk [tilespmem:v26+s5+$0x0], $0xffff;
	v26 =	vand.u32 $0x38, v28;
	v28 =	vand.u32 $0x38, v29;
	(pc) =	sbr.rel @p0 .LBB2_6-.Ltmp1, $4  }
0xe0: {  	v29 =	vld.idx.msk [tilespmem:v36+s5+$0x0], $0xffff;
	v36 =	vadd.f32 v54, v56;
	v26 =	vadd.s32 v6, v26;
	v28 =	vadd.s32 v9, v28  }
0xe1: {  	v53 =	vxor.u32 s26, v22;
	v41 =	vadd.s32 v4, v35;
	v35 =	vadd.s32 v5, v43;
	v45 =	vld.idx.msk [tilespmem:v42+s11+$0x0], $0xffff  }
0xe2: {  	v50 =	vadd.f32 v57, v50;
	v42 =	vadd.s32 v8, v51;
	v43 =	vadd.f32 v39, v36;
	v48 =	vld.idx.msk [tilespmem:v48+s11+$0x0], $0xffff  }
0xe3: {  	v49 =	vadd.s32 v7, v49;
	s4 =	smov.u32 s25;
	v51 =	vor.u32 v53, v23;
	v39 =	vadd.f32 v55, v52;
	v36 =	vld.idx.msk [tilespmem:v58+s5+$0x0], $0xffff  }
0xe4: {  	_ =	sdelay $0x2  }
0xe5: {  	v12 =	vor.u32 v16, v51  }
0xe6: {  	v13 =	vld.idx.msk [tilespmem:v44+s11+$0x0], $0xffff  }
0xe7: {  	v14 =	vld.idx.msk [tilespmem:v34+s5+$0x0], $0xffff  }
0xe8: {  	v58 =	vadd.f32 v27, v47;
	v17 =	vld.idx.msk [tilespmem:v30+s11+$0x0], $0xffff  }
0xe9: {  	v15 =	vadd.f32 v32, v50;
	v18 =	vld.idx.msk [tilespmem:v31+s11+$0x0], $0xffff;
	v19 =	vadd.f32 v38, v24  }
0xea: {  	v20 =	vadd.f32 v40, v46;
	[tilespmem:v41+s31+$0x0] =	vst.idx.msk $0xffff, v43;
	v59 =	vadd.f32 v45, v58;
	v12 =	vld.idx.msk [tilespmem:v12+s11+$0x0], $0xffff  }
0xeb: {  	[tilespmem:v49+s31+$0x0] =	vst.idx.msk $0xffff, v15;
	v60 =	vadd.f32 v48, v19  }
0xec: {  	[tilespmem:v42+s31+$0x0] =	vst.idx.msk $0xffff, v59;
	v14 =	vadd.f32 v37, v14;
	v13 =	vadd.f32 v13, v20  }
0xed: {  	v62 =	vadd.f32 v36, v29;
	[tilespmem:v33+s31+$0x0] =	vst.idx.msk $0xffff, v60;
	v61 =	vadd.f32 v17, v39  }
0xee: {  	[tilespmem:v35+s31+$0x0] =	vst.idx.msk $0xffff, v13;
	v63 =	vadd.f32 v18, v14  }
0xef: {  	s0 =	sshll.u32 s24, $0x4;
	[tilespmem:v28+s31+$0x0] =	vst.idx.msk $0xffff, v61;
	v12 =	vadd.f32 v12, v62  }
0xf0: {  	s0 =	sand.u32 $0x1FFFFF00, s0;
	[tilespmem:v26+s31+$0x0] =	vst.idx.msk $0xffff, v63  }
0xf1: {  	s0 =	sadd.s32 s3, s0;
	[tilespmem:v25+s31+$0x0] =	vst.idx.msk $0xffff, v12  }
0xf2: {  	[hbm4b:s0+s5] =	stream.linear.scatter [tilespmem:s31], [sflag:$0x2], $0x40, $0x38;
	[tilespmem:$0x1FE80] =	vst v63  }
0xf3: {  	s6 =	simm.s32 $0x1FA48;
	s4 =	sadd.s32 $0x10, s0  }
0xf4: {  	[hbm4b:s4+s5] =	stream.linear.scatter [tilespmem:s6], [sflag:$0x2], $0x40, $0x38;
	[tilespmem:$0x1FE80] =	vst v63  }
0xf5: {  	s9 =	simm.s32 $0x1FA90;
	s7 =	sadd.s32 $0x20, s0  }
0xf6: {  	[hbm4b:s7+s5] =	stream.linear.scatter [tilespmem:s9], [sflag:$0x2], $0x40, $0x38;
	[tilespmem:$0x1FE80] =	vst v63  }
0xf7: {  	s25 =	simm.s32 $0x1FAD8;
	s24 =	sadd.s32 $0x30, s0  }
0xf8: {  	[hbm4b:s24+s5] =	stream.linear.scatter [tilespmem:s25], [sflag:$0x2], $0x40, $0x38;
	[tilespmem:$0x1FE80] =	vst v63  }
0xf9: {  	s28 =	simm.s32 $0x1FB20;
	s26 =	sadd.s32 $0x40, s0  }
0xfa: {  	[hbm4b:s26+s5] =	stream.linear.scatter [tilespmem:s28], [sflag:$0x2], $0x40, $0x38;
	[tilespmem:$0x1FE80] =	vst v63  }
0xfb: {  	s30 =	simm.s32 $0x1FB68;
	s29 =	sadd.s32 $0x50, s0  }
0xfc: {  	[hbm4b:s29+s5] =	stream.linear.scatter [tilespmem:s30], [sflag:$0x2], $0x40, $0x38;
	[tilespmem:$0x1FE80] =	vst v63  }
0xfd: {  	s6 =	sadd.s32 $0x60, s0  }
0xfe: {  	[hbm4b:s6+s5] =	stream.linear.scatter [tilespmem:s1], [sflag:$0x2], $0x40, $0x38;
	[tilespmem:$0x1FE80] =	vst v63  }
0xff: {  	s7 =	sadd.s32 $0x70, s0  }
0x100: {  	[hbm4b:s7+s5] =	stream.linear.scatter [tilespmem:s2], [sflag:$0x2], $0x40, $0x38;
	[tilespmem:$0x1FE80] =	vst v63  }
0x101: {  	s9 =	sadd.s32 $0x80, s0  }
0x102: {  	[hbm4b:s9+s5] =	stream.linear.scatter [tilespmem:s13], [sflag:$0x2], $0x40, $0x38;
	[tilespmem:$0x1FE80] =	vst v63  }
0x103: {  	s24 =	sadd.s32 $0x90, s0  }
0x104: {  	[hbm4b:s24+s5] =	stream.linear.scatter [tilespmem:s8], [sflag:$0x2], $0x40, $0x38;
	[tilespmem:$0x1FE80] =	vst v63  }
0x105: {  	s25 =	sadd.s32 $0xA0, s0  }
0x106: {  	[hbm4b:s25+s5] =	stream.linear.scatter [tilespmem:s10], [sflag:$0x2], $0x40, $0x38;
	[tilespmem:$0x1FE80] =	vst v63  }
0x107: {  	s26 =	sadd.s32 $0xB0, s0  }
0x108: {  	[hbm4b:s26+s5] =	stream.linear.scatter [tilespmem:s15], [sflag:$0x2], $0x40, $0x38;
	[tilespmem:$0x1FE80] =	vst v63  }
0x109: {  	s23 =	sadd.s32 $0x1, s23;
	s28 =	sadd.s32 $0xC0, s0  }
0x10a: {  	[hbm4b:s28+s5] =	stream.linear.scatter [tilespmem:s16], [sflag:$0x2], $0x40, $0x38;
	[tilespmem:$0x1FE80] =	vst v63  }
0x10b: {  	p0 =	sne.s32 s23, $0x4;
	s29 =	sadd.s32 $0xD0, s0  }
0x10c: {  	[hbm4b:s29+s5] =	stream.linear.scatter [tilespmem:s17], [sflag:$0x2], $0x40, $0x38;
	[tilespmem:$0x1FE80] =	vst v63  }
.Ltmp2:
0x10d: {  	_ = 	snop;
	(pc) =	sbr.rel @p0 .LBB2_3-.Ltmp2, $4  }
0x10e: {  	s30 =	sadd.s32 $0xE0, s0  }
0x10f: {  	[hbm4b:s30+s5] =	stream.linear.scatter [tilespmem:s18], [sflag:$0x2], $0x40, $0x38;
	[tilespmem:$0x1FE80] =	vst v63  }
0x110: {  	s0 =	sadd.s32 $0xF0, s0  }
0x111: {  	[hbm4b:s0+s5] =	stream.linear.scatter [tilespmem:s19], [sflag:$0x2], $0x40, $0x38;
	[tilespmem:$0x1FE80] =	vst v63  }
0x112: {  	s20 =	sadd.s32 $0x1, s20  }
0x113: {  	p0 =	sne.s32 s20, $0x32  }
.Ltmp3:
0x114: {  	_ = 	snop;
	(pc) =	sbr.rel @p0 .LBB2_2-.Ltmp3, $1  }
0x115: {  	_ =	sdelay $0x3  }
0x116: {  	s0 =	simm.s32 $0x1  }
0x117: {  	_ =	swait.ge [sflag:s0], $0x400  }
0x118: {  	[sflag:s0] =	ssyncset.done $0x0  }
0x119: {  	s4 =	simm.s32 $0x2;
	[sflag:s0] =	ssyncadd.s32 $0xFFFFFC00  }
0x11a: {  	_ =	swait.ge [sflag:s4], $0x400  }
0x11b: {  	s6 =	rddreg [dreg:$0x9]  }
0x11c: {  	s30 =	rddreg [dreg:$0x8];
	s6 =	sadd.s32 $0x1, s6  }
0x11d: {  	p0 =	sne.s32 s6, s30  }
.Ltmp4:
0x11e: {  	_ = 	snop;
	(pc) =	sbr.rel @p0 .LBB2_1-.Ltmp4, $3  }
0x11f: {  	_ =	sdelay $0x1  }
0x120: {  	[sflag:s4] =	ssyncset.done $0x0  }
0x121: {  	[sflag:s4] =	ssyncadd.s32 $0xFFFFFC00  }
0x122: {  	_ =	sfence.sel $0x180000  }
0x123: {  	[bflag:$0x0] =	sbarrier.arrive $0xFFFF  }
0x124: {  	_ =	strace $0x90000047  }
0x125: {  	s0 =	stileid.u32;
	[bflag:$0x2] =	sbarrier.arrive $0xFFFF  }
0x126: {  	p0 =	sne.s32 s0, $0x0;
	s0 =	rddreg [dreg:$0x4]  }
0x127: {  	s0 =	sadd.s32 @!p0 $0x100000, s0  }
0x128: {  	[sflag:s0] =	ssyncadd.tile.s32 @!p0 $0x1;
	_ =	shalt  }
.Lfunc_end2:
_tile_overlayer_lowered:
.L_overlay_start_2:
0x129: {  	(tag) =	ssettag $0x2  }
0x12a: {  	s0 =	rddreg [dreg:$0x0];
	s2 =	stileid.u32  }
0x12b: {  	s1 =	rddreg [dreg:$0x1];
	p0 =	sne.s32 s2, $0x0  }
0x12c: {  	s3 =	rddreg [dreg:$0x2];
	[bflag:$0x3] =	sbarrier.arrive $0xFFFF;
	s2 =	simm.s32 @!p0 $0x1C03  }
0x12d: {  	[timem:s3], [sflag:s2] =	dma.local @!p0 [hbm:s0], s1  }
0x12e: {  	s0 =	simm.s32 @!p0 $0x3  }
0x12f: {  	_ =	swait.ge @!p0 [sflag:s0], s1  }
0x130: {  	s1 =	ssub.s32 @!p0 $0x0, s1;
	[sflag:s0] =	ssyncset.done @!p0 $0x0  }
0x131: {  	[sflag:s0] =	ssyncadd.s32 @!p0 s1  }
0x132: {  	[bflag:$0x3] =	sbarrier.arrive $0xFFFF  }
0x133: {  	_ =	shalt  }

</sc_bundles>
